<compile_context>
chip_gen: v7x
topology: tpu7x:2x2x1
jax: 0.10.2.dev20260603
libtpu: 0.0.44.dev20260713+nightly
codegen_flags: <defaults>
</compile_context>

<pallas_src>
import functools

import jax
import jax.numpy as jnp
from jax import lax
from jax.experimental import pallas as pl
from jax.experimental.pallas import tpu as pltpu
from jax.experimental.pallas import tpu_sc as plsc

N = 10000
E = 320000
D = 128
H = 128
G = 64
EPS = 1e-5

NC = 2
NS = 16
EB = 128

NB_SUB = 160
NB_PAD = NB_SUB * NS
E_PAD = NB_PAD * EB
N_ACC = 10016
ROWS_PER_SUB = 624
ROWS_TAIL = N - ROWS_PER_SUB * NS
DEG_W = 16

_MESH = plsc.VectorSubcoreMesh(
    core_axis_name="c", subcore_axis_name="s", num_cores=NC, num_subcores=NS
)




def _zero_acc(zeros_hbm, acc, s):
    pltpu.sync_copy(
        zeros_hbm.at[pl.ds(0, ROWS_PER_SUB)],
        acc.at[pl.ds(s * ROWS_PER_SUB, ROWS_PER_SUB)],
    )
    @pl.when(s == 0)
    def _():
        pltpu.sync_copy(
            zeros_hbm.at[pl.ds(0, ROWS_TAIL)],
            acc.at[pl.ds(NS * ROWS_PER_SUB, ROWS_TAIL)],
        )


def _write_out(acc, out_hbm, c, s):
    pltpu.sync_copy(
        acc.at[pl.ds(s * ROWS_PER_SUB, ROWS_PER_SUB)],
        out_hbm.at[c, pl.ds(s * ROWS_PER_SUB, ROWS_PER_SUB)],
    )
    @pl.when(s == 0)
    def _():
        pltpu.sync_copy(
            acc.at[pl.ds(NS * ROWS_PER_SUB, ROWS_TAIL)],
            out_hbm.at[c, pl.ds(NS * ROWS_PER_SUB, ROWS_TAIL)],
        )


@functools.partial(
    pl.kernel,
    out_type=jax.ShapeDtypeStruct((NC, N, DEG_W), jnp.float32),
    mesh=_MESH,
    scratch_types=[
        pltpu.VMEM((EB, DEG_W), jnp.float32),
        pltpu.VMEM((NB_SUB, EB), jnp.int32),
        pltpu.VMEM_SHARED((N_ACC, DEG_W), jnp.float32),
    ],
)
def _deg_sc(dst_hbm, zeros_hbm, out_hbm, ones_v, idx_v, acc):
    c = lax.axis_index("c")
    s = lax.axis_index("s")

    def fill_ones(r, carry):
        ones_v[r, :] = jnp.ones((DEG_W,), jnp.float32)
        return carry

    lax.fori_loop(0, EB, fill_ones, 0)
    pltpu.sync_copy(dst_hbm.at[pl.ds(c * NB_PAD + s * NB_SUB, NB_SUB)], idx_v)
    _zero_acc(zeros_hbm, acc, s)
    plsc.subcore_barrier()

    def body(j, carry):
        pltpu.sync_copy(ones_v, acc.at[idx_v.at[j]], add=True)
        return carry

    lax.fori_loop(0, NB_SUB, body, 0)

    plsc.subcore_barrier()
    _write_out(acc, out_hbm, c, s)


@functools.partial(
    pl.kernel,
    out_type=jax.ShapeDtypeStruct((NC, N, H), jnp.float32),
    mesh=_MESH,
    scratch_types=[
        pltpu.VMEM((4, EB), jnp.int32),
        pltpu.VMEM((EB, H), jnp.float32),
        pltpu.VMEM((EB, H), jnp.float32),
        pltpu.VMEM_SHARED((N_ACC, H), jnp.float32),
        pltpu.SemaphoreType.DMA,
        pltpu.SemaphoreType.DMA,
    ],
)
def _agg_sc(hp_hbm, sd_hbm, zeros_hbm, out_hbm,
            sdp, rows0, rows1, acc, g0, g1):
    c = lax.axis_index("c")
    s = lax.axis_index("s")

    npairs = NB_SUB // 2
    bp = (c * NB_PAD + s * NB_SUB) // 2
    _zero_acc(zeros_hbm, acc, s)
    plsc.subcore_barrier()

    def pair(p, carry):
        pltpu.sync_copy(sd_hbm.at[bp + p], sdp)
        d0 = pltpu.async_copy(hp_hbm.at[sdp.at[0]], rows0, g0)
        d0.wait()
        pltpu.sync_copy(rows0, acc.at[sdp.at[1]], add=True)
        d1 = pltpu.async_copy(hp_hbm.at[sdp.at[2]], rows1, g1)
        d1.wait()
        pltpu.sync_copy(rows1, acc.at[sdp.at[3]], add=True)
        return carry

    lax.fori_loop(0, npairs, pair, 0)

    plsc.subcore_barrier()
    _write_out(acc, out_hbm, c, s)




def _front_tc(x_ref, deg_ref, gamma_ref, beta_ref, w1_ref, b1_ref, w2_ref,
              b2_ref, wc1_ref, h1p_ref, dinv_ref):
    x = x_ref[0]
    mean = jnp.mean(x, axis=0, keepdims=True)
    xc = x - mean
    var = jnp.mean(xc * xc, axis=0, keepdims=True)
    xn = xc / jnp.sqrt(var + EPS) * gamma_ref[...] + beta_ref[...]
    h = jnp.maximum(jnp.dot(xn, w1_ref[...],
                            preferred_element_type=jnp.float32) + b1_ref[...], 0.0)
    h = jnp.maximum(jnp.dot(h, w2_ref[...],
                            preferred_element_type=jnp.float32) + b2_ref[...], 0.0)
    deg = deg_ref[0, :, 0:1] + 1.0
    dinv = 1.0 / jnp.sqrt(deg)
    dinv_ref[0] = dinv
    h1 = jnp.dot(h, wc1_ref[...], preferred_element_type=jnp.float32)
    h1p_ref[...] = h1 * dinv


def _epi_tc(agg_ref, hp_ref, dinv_ref, bc_ref, wn_ref, out_ref):
    dinv = dinv_ref[0]
    x = jnp.maximum((agg_ref[0] + hp_ref[...]) * dinv + bc_ref[...], 0.0)
    out_ref[...] = jnp.dot(x, wn_ref[...],
                           preferred_element_type=jnp.float32) * dinv


def _pool_tc(agg_ref, hp_ref, dinv_ref, bc_ref, batch_ref, out_ref):
    dinv = dinv_ref[0]
    x = jnp.maximum((agg_ref[0] + hp_ref[...]) * dinv + bc_ref[...], 0.0)
    b = batch_ref[0]
    gids = lax.broadcasted_iota(jnp.int32, (G, N), 0)
    onehot = (b == gids).astype(jnp.float32)
    ssum = jnp.dot(onehot, x, preferred_element_type=jnp.float32)
    cnt = jnp.sum(onehot, axis=1, keepdims=True)
    out_ref[0] = ssum / jnp.maximum(cnt, 1.0)


def _head_tc(p_ref, w3_ref, b3_ref, w4_ref, b4_ref, w5_ref, b5_ref, out_ref):
    h = jnp.concatenate([p_ref[0], p_ref[1]], axis=1)
    h = jnp.maximum(jnp.dot(h, w3_ref[...],
                            preferred_element_type=jnp.float32) + b3_ref[...], 0.0)
    h = jnp.maximum(jnp.dot(h, w4_ref[...],
                            preferred_element_type=jnp.float32) + b4_ref[...], 0.0)
    out_ref[...] = jnp.dot(h, w5_ref[...],
                           preferred_element_type=jnp.float32) + b5_ref[...]


def _row(x):
    return x.reshape(1, -1)


def kernel(x0, x1, edge_index0, edge_index1, batch0, batch1, gamma, beta,
           W1, b1, W2, b2, Wc1, bc1, Wc2, bc2, Wc3, bc3, W3, b3, W4, b4,
           W5, b5):
    xs = jnp.stack([x0, x1])
    pad_src = jnp.zeros((E_PAD - E,), jnp.int32)
    pad_dst = jnp.full((E_PAD - E,), N, jnp.int32)
    src = jnp.concatenate(
        [edge_index0[0].astype(jnp.int32), pad_src,
         edge_index1[0].astype(jnp.int32) + N, pad_src]
    ).reshape(NC * NB_PAD, EB)
    dst = jnp.concatenate(
        [edge_index0[1].astype(jnp.int32), pad_dst,
         edge_index1[1].astype(jnp.int32), pad_dst]
    ).reshape(NC * NB_PAD, EB)
    src_p = src.reshape(-1, 2, EB)
    dst_p = dst.reshape(-1, 2, EB)
    sd = jnp.stack(
        [src_p[:, 0], dst_p[:, 0], src_p[:, 1], dst_p[:, 1]], axis=1)
    batch = jnp.stack([batch0, batch1]).astype(jnp.int32).reshape(NC, 1, N)
    zeros_h = jnp.zeros((ROWS_PER_SUB, H), jnp.float32)
    zeros_d = jnp.zeros((ROWS_PER_SUB, DEG_W), jnp.float32)

    deg_raw = _deg_sc(dst, zeros_d)

    front = pl.pallas_call(
        _front_tc,
        grid=(NC,),
        in_specs=[
            pl.BlockSpec((1, N, D), lambda b: (b, 0, 0)),
            pl.BlockSpec((1, N, DEG_W), lambda b: (b, 0, 0)),
            pl.BlockSpec((1, D), lambda b: (0, 0)),
            pl.BlockSpec((1, D), lambda b: (0, 0)),
            pl.BlockSpec((D, 2 * H), lambda b: (0, 0)),
            pl.BlockSpec((1, 2 * H), lambda b: (0, 0)),
            pl.BlockSpec((2 * H, H), lambda b: (0, 0)),
            pl.BlockSpec((1, H), lambda b: (0, 0)),
            pl.BlockSpec((H, H), lambda b: (0, 0)),
        ],
        out_specs=[
            pl.BlockSpec((N, H), lambda b: (b, 0)),
            pl.BlockSpec((1, N, 1), lambda b: (b, 0, 0)),
        ],
        out_shape=[
            jax.ShapeDtypeStruct((NC * N, H), jnp.float32),
            jax.ShapeDtypeStruct((NC, N, 1), jnp.float32),
        ],
    )
    h1p, dinv = front(xs, deg_raw, _row(gamma), _row(beta), W1, _row(b1),
                      W2, _row(b2), Wc1)

    def conv_step(hp, bc, w_next):
        agg = _agg_sc(hp, sd, zeros_h)
        epi = pl.pallas_call(
            _epi_tc,
            grid=(NC,),
            in_specs=[
                pl.BlockSpec((1, N, H), lambda b: (b, 0, 0)),
                pl.BlockSpec((N, H), lambda b: (b, 0)),
                pl.BlockSpec((1, N, 1), lambda b: (b, 0, 0)),
                pl.BlockSpec((1, H), lambda b: (0, 0)),
                pl.BlockSpec((H, H), lambda b: (0, 0)),
            ],
            out_specs=pl.BlockSpec((N, H), lambda b: (b, 0)),
            out_shape=jax.ShapeDtypeStruct((NC * N, H), jnp.float32),
        )
        return epi(agg, hp, dinv, _row(bc), w_next)

    h2p = conv_step(h1p, bc1, Wc2)
    h3p = conv_step(h2p, bc2, Wc3)

    agg3 = _agg_sc(h3p, sd, zeros_h)
    pool = pl.pallas_call(
        _pool_tc,
        grid=(NC,),
        in_specs=[
            pl.BlockSpec((1, N, H), lambda b: (b, 0, 0)),
            pl.BlockSpec((N, H), lambda b: (b, 0)),
            pl.BlockSpec((1, N, 1), lambda b: (b, 0, 0)),
            pl.BlockSpec((1, H), lambda b: (0, 0)),
            pl.BlockSpec((1, 1, N), lambda b: (b, 0, 0)),
        ],
        out_specs=pl.BlockSpec((1, G, H), lambda b: (b, 0, 0)),
        out_shape=jax.ShapeDtypeStruct((NC, G, H), jnp.float32),
    )
    pooled = pool(agg3, h3p, dinv, _row(bc3), batch)

    head = pl.pallas_call(
        _head_tc,
        out_shape=jax.ShapeDtypeStruct((G, 1), jnp.float32),
    )
    return head(pooled, W3, _row(b3), W4, _row(b4), W5, _row(b5))

# --- scband reference (transcript-rebuilt; emitter-appended) ---
"""Pipeline reference for scband-gcn-1580547964985 (READ-ONLY COPY).

The authoritative reference and input builder live on the scoring server;
editing this copy changes nothing except your own understanding.
"""

import jax, jax.numpy as jnp
import numpy as np

N = 10000
E = 320000
D = 128
H = 128
G = 64
EPS = 1e-5

def _glorot(key, shape):
    s = (2.0 / (shape[0] + shape[1])) ** 0.5
    return jax.random.normal(key, shape, jnp.float32) * s

def setup_inputs(seed: int = 0):
    key = jax.random.key(seed)
    ks = jax.random.split(key, 24)
    inp = {}
    inp['x0'] = jax.random.normal(ks[0], (N, D), jnp.float32)
    inp['x1'] = jax.random.normal(ks[1], (N, D), jnp.float32)
    inp['edge_index0'] = jax.random.randint(ks[2], (2, E), 0, N)
    inp['edge_index1'] = jax.random.randint(ks[3], (2, E), 0, N)
    inp['batch0'] = jnp.sort(jax.random.randint(ks[4], (N,), 0, G))
    inp['batch1'] = jnp.sort(jax.random.randint(ks[5], (N,), 0, G))
    inp['gamma'] = jnp.ones((D,), jnp.float32)
    inp['beta'] = jnp.zeros((D,), jnp.float32)
    inp['W1'] = _glorot(ks[6], (D, 2 * H)); inp['b1'] = jnp.zeros((2 * H,), jnp.float32)
    inp['W2'] = _glorot(ks[7], (2 * H, H)); inp['b2'] = jnp.zeros((H,), jnp.float32)
    inp['Wc1'] = _glorot(ks[8], (H, H)); inp['bc1'] = jnp.zeros((H,), jnp.float32)
    inp['Wc2'] = _glorot(ks[9], (H, H)); inp['bc2'] = jnp.zeros((H,), jnp.float32)
    inp['Wc3'] = _glorot(ks[10], (H, H)); inp['bc3'] = jnp.zeros((H,), jnp.float32)
    inp['W3'] = _glorot(ks[11], (2 * H, 256)); inp['b3'] = jnp.zeros((256,), jnp.float32)
    inp['W4'] = _glorot(ks[12], (256, 128)); inp['b4'] = jnp.zeros((128,), jnp.float32)
    inp['W5'] = _glorot(ks[13], (128, 1)); inp['b5'] = jnp.zeros((1,), jnp.float32)
    return inp

def _batchnorm(x, gamma, beta):
    mean = x.mean(axis=0)
    var = x.var(axis=0)
    return (x - mean) / jnp.sqrt(var + EPS) * gamma + beta

def _gcn_conv(x, edge_index, W, b):
    n = x.shape[0]
    loop = jnp.arange(n, dtype=edge_index.dtype)
    src = jnp.concatenate([edge_index[0], loop])
    dst = jnp.concatenate([edge_index[1], loop])
    h = x @ W
    ones = jnp.ones((src.shape[0],), jnp.float32)
    deg = jax.ops.segment_sum(ones, dst, num_segments=n)
    dinv = jnp.where(deg > 0, 1.0 / jnp.sqrt(deg), 0.0)
    norm = dinv[src] * dinv[dst]
    msg = h[src] * norm[:, None]
    return jax.ops.segment_sum(msg, dst, num_segments=n) + b

def _global_mean_pool(x, batch, g):
    s = jax.ops.segment_sum(x, batch, num_segments=g)
    cnt = jax.ops.segment_sum(jnp.ones((x.shape[0],), jnp.float32), batch, num_segments=g)
    return s / jnp.maximum(cnt, 1.0)[:, None]

def reference(x0, x1, edge_index0, edge_index1, batch0, batch1, gamma, beta, W1, b1, W2, b2, Wc1, bc1, Wc2, bc2, Wc3, bc3, W3, b3, W4, b4, W5, b5):
    def branch(x, ei, batch):
        x = _batchnorm(x, gamma, beta)
        x = jax.nn.relu(x @ W1 + b1)
        x = jax.nn.relu(x @ W2 + b2)
        x = jax.nn.relu(_gcn_conv(x, ei, Wc1, bc1))
        x = jax.nn.relu(_gcn_conv(x, ei, Wc2, bc2))
        x = jax.nn.relu(_gcn_conv(x, ei, Wc3, bc3))
        return _global_mean_pool(x, batch, G)
    h0 = branch(x0, edge_index0, batch0)
    h1 = branch(x1, edge_index1, batch1)
    h = jnp.concatenate([h0, h1], axis=1)
    h = jax.nn.relu(h @ W3 + b3)
    h = jax.nn.relu(h @ W4 + b4)
    return h @ W5 + b5

if __name__ == "__main__":
    import jax
    _d = setup_inputs()
    print(jax.jit(kernel)(*tuple(_d.values())))

</pallas_src>

<mosaic_0001>
#map = affine_map<(d0, d1) -> (0, 0)>
#map1 = affine_map<(d0, d1) -> (0, 0, 0)>
module attributes {stable_mosaic.version = 14 : i64} {
  func.func @_agg_sc(%arg0: i32, %arg1: i32, %arg2: memref<20000x128xf32, #tpu.memory_space<hbm>>, %arg3: memref<2560x4x128xi32, #tpu.memory_space<hbm>>, %arg4: memref<624x128xf32, #tpu.memory_space<hbm>>, %arg5: memref<2x10000x128xf32, #tpu.memory_space<hbm>>, %arg6: memref<4x128xi32, #tpu.memory_space<vmem>>, %arg7: memref<128x128xf32, #tpu.memory_space<vmem>>, %arg8: memref<128x128xf32, #tpu.memory_space<vmem>>, %arg9: memref<10016x128xf32, #tpu.memory_space<vmem_shared>>, %arg10: memref<!tpu.dma_semaphore, #tpu.memory_space<semaphore_mem>>, %arg11: memref<!tpu.dma_semaphore, #tpu.memory_space<semaphore_mem>>) attributes {dimension_semantics = [#tpu.dimension_semantics<core_parallel>, #tpu.dimension_semantics<subcore_parallel>], iteration_bounds = array<i64: 2, 16>, scalar_prefetch = 0 : i64, scratch_operands = 6 : i64, tpu.core_type = #tpu.core_type<sc_vector_subcore>, window_params = [{transform_indices = #map}, {transform_indices = #map1}, {transform_indices = #map}, {transform_indices = #map1}]} {
    %mul3A = arith.constant 2560 : i32
    %mul3A_0 = arith.muli %arg0, %mul3A : i32
    %mul3A_1 = arith.constant 160 : i32
    %mul3A_2 = arith.muli %arg1, %mul3A_1 : i32
    %add3A = arith.addi %mul3A_0, %mul3A_2 : i32
    %jit3A = arith.constant 2 : i32
    %div3A = arith.divsi %add3A, %jit3A : i32
    %sign3A = arith.constant 0 : i32
    %sign3A_3 = arith.cmpi sgt, %add3A, %sign3A : i32
    %sign3A_4 = arith.extui %sign3A_3 : i1 to i32
    %sign3A_5 = arith.constant 0 : i32
    %sign3A_6 = arith.cmpi slt, %add3A, %sign3A_5 : i32
    %sign3A_7 = arith.extui %sign3A_6 : i1 to i32
    %sign3A_8 = arith.subi %sign3A_4, %sign3A_7 : i32
    %sign3A_9 = arith.constant 0 : i32
    %sign3A_10 = arith.cmpi sgt, %jit3A, %sign3A_9 : i32
    %sign3A_11 = arith.extui %sign3A_10 : i1 to i32
    %sign3A_12 = arith.constant 0 : i32
    %sign3A_13 = arith.cmpi slt, %jit3A, %sign3A_12 : i32
    %sign3A_14 = arith.extui %sign3A_13 : i1 to i32
    %sign3A_15 = arith.subi %sign3A_11, %sign3A_14 : i32
    %ne3A = arith.cmpi ne, %sign3A_8, %sign3A_15 : i32
    %rem3A = arith.remsi %add3A, %jit3A : i32
    %ne3A_16 = arith.constant 0 : i32
    %ne3A_17 = arith.cmpi ne, %rem3A, %ne3A_16 : i32
    %and3A = arith.andi %ne3A, %ne3A_17 : i1
    %sub3A = arith.constant 1 : i32
    %sub3A_18 = arith.subi %div3A, %sub3A : i32
    %select_n3A = arith.select %and3A, %sub3A_18, %div3A : i32
    %mul3A_19 = arith.constant 624 : i32
    %mul3A_20 = arith.muli %arg1, %mul3A_19 : i32
    "tpu.region"() ({
      %run_scoped3A = tpu.sem_alloc : memref<!tpu.dma_semaphore, #tpu.memory_space<semaphore_mem>>
      %dma_start3A = arith.constant 0 : i32
      %dma_start3A_38 = tpu.memref_slice %arg9[%mul3A_20, %dma_start3A] : memref<10016x128xf32, #tpu.memory_space<vmem_shared>> -> memref<624x128xf32, #tpu.memory_space<vmem_shared>>
      %dma_start3A_39 = arith.constant 0 : i32
      %dma_start3A_40 = arith.constant 0 : i32
      %dma_start3A_41 = tpu.memref_slice %arg4[%dma_start3A_39, %dma_start3A_40] : memref<624x128xf32, #tpu.memory_space<hbm>> -> memref<624x128xf32, #tpu.memory_space<hbm>>
      tpu.enqueue_dma source(%dma_start3A_41 : memref<624x128xf32, #tpu.memory_space<hbm>>) target(%dma_start3A_38 : memref<624x128xf32, #tpu.memory_space<vmem_shared>>) target_semaphore(%run_scoped3A : memref<!tpu.dma_semaphore, #tpu.memory_space<semaphore_mem>>)
      %dma_wait3A = arith.constant 0 : i32
      %dma_wait3A_42 = tpu.memref_slice %arg9[%mul3A_20, %dma_wait3A] : memref<10016x128xf32, #tpu.memory_space<vmem_shared>> -> memref<624x128xf32, #tpu.memory_space<vmem_shared>>
      %dma_wait3A_43 = arith.constant 0 : i32
      %dma_wait3A_44 = arith.constant 0 : i32
      %dma_wait3A_45 = tpu.memref_slice %arg4[%dma_wait3A_43, %dma_wait3A_44] : memref<624x128xf32, #tpu.memory_space<hbm>> -> memref<624x128xf32, #tpu.memory_space<hbm>>
      tpu.wait_dma2 semaphore(%run_scoped3A : memref<!tpu.dma_semaphore, #tpu.memory_space<semaphore_mem>>) src(%dma_wait3A_45 : memref<624x128xf32, #tpu.memory_space<hbm>>) dst(%dma_wait3A_42 : memref<624x128xf32, #tpu.memory_space<vmem_shared>>)
      tpu.yield
    }) : () -> ()
    %eq3A = arith.constant 0 : i32
    %eq3A_21 = arith.cmpi eq, %arg1, %eq3A : i32
    %convert_element_type3A = arith.extui %eq3A_21 : i1 to i32
    %cond3A = arith.constant 0 : i32
    %cond3A_22 = arith.cmpi ne, %convert_element_type3A, %cond3A : i32
    scf.if %cond3A_22 {
      "tpu.region"() ({
        %run_scoped3A = tpu.sem_alloc : memref<!tpu.dma_semaphore, #tpu.memory_space<semaphore_mem>>
        %dma_start3A = arith.constant 9984 : i32
        %dma_start3A_38 = arith.constant 0 : i32
        %dma_start3A_39 = tpu.memref_slice %arg9[%dma_start3A, %dma_start3A_38] : memref<10016x128xf32, #tpu.memory_space<vmem_shared>> -> memref<16x128xf32, #tpu.memory_space<vmem_shared>>
        %dma_start3A_40 = arith.constant 0 : i32
        %dma_start3A_41 = arith.constant 0 : i32
        %dma_start3A_42 = tpu.memref_slice %arg4[%dma_start3A_40, %dma_start3A_41] : memref<624x128xf32, #tpu.memory_space<hbm>> -> memref<16x128xf32, #tpu.memory_space<hbm>>
        tpu.enqueue_dma source(%dma_start3A_42 : memref<16x128xf32, #tpu.memory_space<hbm>>) target(%dma_start3A_39 : memref<16x128xf32, #tpu.memory_space<vmem_shared>>) target_semaphore(%run_scoped3A : memref<!tpu.dma_semaphore, #tpu.memory_space<semaphore_mem>>)
        %dma_wait3A = arith.constant 9984 : i32
        %dma_wait3A_43 = arith.constant 0 : i32
        %dma_wait3A_44 = tpu.memref_slice %arg9[%dma_wait3A, %dma_wait3A_43] : memref<10016x128xf32, #tpu.memory_space<vmem_shared>> -> memref<16x128xf32, #tpu.memory_space<vmem_shared>>
        %dma_wait3A_45 = arith.constant 0 : i32
        %dma_wait3A_46 = arith.constant 0 : i32
        %dma_wait3A_47 = tpu.memref_slice %arg4[%dma_wait3A_45, %dma_wait3A_46] : memref<624x128xf32, #tpu.memory_space<hbm>> -> memref<16x128xf32, #tpu.memory_space<hbm>>
        tpu.wait_dma2 semaphore(%run_scoped3A : memref<!tpu.dma_semaphore, #tpu.memory_space<semaphore_mem>>) src(%dma_wait3A_47 : memref<16x128xf32, #tpu.memory_space<hbm>>) dst(%dma_wait3A_44 : memref<16x128xf32, #tpu.memory_space<vmem_shared>>)
        tpu.yield
      }) : () -> ()
    } else {
    }
    %barrier3A = arith.constant 0 : index
    tpu.barrier barrier_id(%barrier3A)
    %scan3A = arith.constant 0 : i32
    %scan3A_23 = arith.constant 0 : i32
    %scan3A_24 = arith.constant 80 : i32
    %scan3A_25 = arith.addi %scan3A_23, %scan3A_24 : i32
    %scan3A_26 = arith.constant 1 : i32
    scf.for %scan3A_38 = %scan3A_23 to %scan3A_25 step %scan3A_26  : i32 {
      %add3A_39 = arith.addi %select_n3A, %scan3A_38 : i32
      "tpu.region"() ({
        %run_scoped3A_67 = tpu.sem_alloc : memref<!tpu.dma_semaphore, #tpu.memory_space<semaphore_mem>>
        %dma_start3A_68 = arith.constant 0 : i32
        %dma_start3A_69 = arith.constant 0 : i32
        %dma_start3A_70 = tpu.memref_slice %arg3[%add3A_39, %dma_start3A_68, %dma_start3A_69] : memref<2560x4x128xi32, #tpu.memory_space<hbm>> -> memref<1x4x128xi32, #tpu.memory_space<hbm>>
        %dma_start3A_71 = tpu.memref_squeeze %dma_start3A_70 : memref<1x4x128xi32, #tpu.memory_space<hbm>> -> memref<4x128xi32, #tpu.memory_space<hbm>>
        %dma_start3A_72 = arith.constant 0 : i32
        %dma_start3A_73 = arith.constant 0 : i32
        %dma_start3A_74 = tpu.memref_slice %arg3[%add3A_39, %dma_start3A_72, %dma_start3A_73] : memref<2560x4x128xi32, #tpu.memory_space<hbm>> -> memref<1x4x128xi32, #tpu.memory_space<hbm>>
        %dma_start3A_75 = tpu.memref_squeeze %dma_start3A_74 : memref<1x4x128xi32, #tpu.memory_space<hbm>> -> memref<4x128xi32, #tpu.memory_space<hbm>>
        tpu.enqueue_dma source(%dma_start3A_75 : memref<4x128xi32, #tpu.memory_space<hbm>>) target(%arg6 : memref<4x128xi32, #tpu.memory_space<vmem>>) target_semaphore(%run_scoped3A_67 : memref<!tpu.dma_semaphore, #tpu.memory_space<semaphore_mem>>)
        %dma_wait3A_76 = arith.constant 0 : i32
        %dma_wait3A_77 = arith.constant 0 : i32
        %dma_wait3A_78 = tpu.memref_slice %arg3[%add3A_39, %dma_wait3A_76, %dma_wait3A_77] : memref<2560x4x128xi32, #tpu.memory_space<hbm>> -> memref<1x4x128xi32, #tpu.memory_space<hbm>>
        %dma_wait3A_79 = tpu.memref_squeeze %dma_wait3A_78 : memref<1x4x128xi32, #tpu.memory_space<hbm>> -> memref<4x128xi32, #tpu.memory_space<hbm>>
        %dma_wait3A_80 = arith.constant 0 : i32
        %dma_wait3A_81 = arith.constant 0 : i32
        %dma_wait3A_82 = tpu.memref_slice %arg3[%add3A_39, %dma_wait3A_80, %dma_wait3A_81] : memref<2560x4x128xi32, #tpu.memory_space<hbm>> -> memref<1x4x128xi32, #tpu.memory_space<hbm>>
        %dma_wait3A_83 = tpu.memref_squeeze %dma_wait3A_82 : memref<1x4x128xi32, #tpu.memory_space<hbm>> -> memref<4x128xi32, #tpu.memory_space<hbm>>
        tpu.wait_dma2 semaphore(%run_scoped3A_67 : memref<!tpu.dma_semaphore, #tpu.memory_space<semaphore_mem>>) src(%dma_wait3A_83 : memref<4x128xi32, #tpu.memory_space<hbm>>) dst(%arg6 : memref<4x128xi32, #tpu.memory_space<vmem>>)
        tpu.yield
      }) : () -> ()
      %dma_start3A = arith.constant 0 : i32
      %dma_start3A_40 = arith.constant 0 : i32
      %dma_start3A_41 = tpu.memref_slice %arg6[%dma_start3A, %dma_start3A_40] : memref<4x128xi32, #tpu.memory_space<vmem>> -> memref<1x128xi32, #tpu.memory_space<vmem>>
      %dma_start3A_42 = tpu.memref_squeeze %dma_start3A_41 : memref<1x128xi32, #tpu.memory_space<vmem>> -> memref<128xi32, #tpu.memory_space<vmem>>
      %dma_start3A_43 = arith.constant 0 : i32
      %dma_start3A_44 = arith.constant 0 : i32
      %dma_start3A_45 = tpu.memref_slice %arg2[%dma_start3A_43, %dma_start3A_44] : memref<20000x128xf32, #tpu.memory_space<hbm>> -> memref<20000x128xf32, #tpu.memory_space<hbm>>
      tpu.enqueue_indirect_dma source(%dma_start3A_45 : memref<20000x128xf32, #tpu.memory_space<hbm>>) target(%arg7 : memref<128x128xf32, #tpu.memory_space<vmem>>) offsets(%dma_start3A_42 : memref<128xi32, #tpu.memory_space<vmem>>) semaphore(%arg10 : memref<!tpu.dma_semaphore, #tpu.memory_space<semaphore_mem>>)
      %dma_wait3A = arith.constant 0 : i32
      %dma_wait3A_46 = arith.constant 0 : i32
      %dma_wait3A_47 = tpu.memref_slice %arg6[%dma_wait3A, %dma_wait3A_46] : memref<4x128xi32, #tpu.memory_space<vmem>> -> memref<1x128xi32, #tpu.memory_space<vmem>>
      %dma_wait3A_48 = tpu.memref_squeeze %dma_wait3A_47 : memref<1x128xi32, #tpu.memory_space<vmem>> -> memref<128xi32, #tpu.memory_space<vmem>>
      %dma_wait3A_49 = arith.constant 0 : i32
      %dma_wait3A_50 = arith.constant 0 : i32
      %dma_wait3A_51 = tpu.memref_slice %arg2[%dma_wait3A_49, %dma_wait3A_50] : memref<20000x128xf32, #tpu.memory_space<hbm>> -> memref<20000x128xf32, #tpu.memory_space<hbm>>
      tpu.wait_indirect_dma semaphore(%arg10 : memref<!tpu.dma_semaphore, #tpu.memory_space<semaphore_mem>>) src(%dma_wait3A_51 : memref<20000x128xf32, #tpu.memory_space<hbm>>) dst(%arg7 : memref<128x128xf32, #tpu.memory_space<vmem>>)
      %run_scoped3A = arith.constant 1 : i32
      "tpu.region"() ({
        %run_scoped3A_67 = tpu.sem_alloc : memref<!tpu.dma_semaphore, #tpu.memory_space<semaphore_mem>>
        %dma_start3A_68 = arith.constant 0 : i32
        %dma_start3A_69 = tpu.memref_slice %arg6[%run_scoped3A, %dma_start3A_68] : memref<4x128xi32, #tpu.memory_space<vmem>> -> memref<1x128xi32, #tpu.memory_space<vmem>>
        %dma_start3A_70 = tpu.memref_squeeze %dma_start3A_69 : memref<1x128xi32, #tpu.memory_space<vmem>> -> memref<128xi32, #tpu.memory_space<vmem>>
        %dma_start3A_71 = arith.constant 0 : i32
        %dma_start3A_72 = arith.constant 0 : i32
        %dma_start3A_73 = tpu.memref_slice %arg9[%dma_start3A_71, %dma_start3A_72] : memref<10016x128xf32, #tpu.memory_space<vmem_shared>> -> memref<10016x128xf32, #tpu.memory_space<vmem_shared>>
        tpu.enqueue_indirect_dma source(%arg7 : memref<128x128xf32, #tpu.memory_space<vmem>>) target(%dma_start3A_73 : memref<10016x128xf32, #tpu.memory_space<vmem_shared>>) offsets(%dma_start3A_70 : memref<128xi32, #tpu.memory_space<vmem>>) semaphore(%run_scoped3A_67 : memref<!tpu.dma_semaphore, #tpu.memory_space<semaphore_mem>>) {add = true}
        %dma_wait3A_74 = arith.constant 0 : i32
        %dma_wait3A_75 = tpu.memref_slice %arg6[%run_scoped3A, %dma_wait3A_74] : memref<4x128xi32, #tpu.memory_space<vmem>> -> memref<1x128xi32, #tpu.memory_space<vmem>>
        %dma_wait3A_76 = tpu.memref_squeeze %dma_wait3A_75 : memref<1x128xi32, #tpu.memory_space<vmem>> -> memref<128xi32, #tpu.memory_space<vmem>>
        %dma_wait3A_77 = arith.constant 0 : i32
        %dma_wait3A_78 = arith.constant 0 : i32
        %dma_wait3A_79 = tpu.memref_slice %arg9[%dma_wait3A_77, %dma_wait3A_78] : memref<10016x128xf32, #tpu.memory_space<vmem_shared>> -> memref<10016x128xf32, #tpu.memory_space<vmem_shared>>
        tpu.wait_indirect_dma semaphore(%run_scoped3A_67 : memref<!tpu.dma_semaphore, #tpu.memory_space<semaphore_mem>>) src(%arg7 : memref<128x128xf32, #tpu.memory_space<vmem>>) dst(%dma_wait3A_79 : memref<10016x128xf32, #tpu.memory_space<vmem_shared>>)
        tpu.yield
      }) : () -> ()
      %dma_start3A_52 = arith.constant 2 : i32
      %dma_start3A_53 = arith.constant 0 : i32
      %dma_start3A_54 = tpu.memref_slice %arg6[%dma_start3A_52, %dma_start3A_53] : memref<4x128xi32, #tpu.memory_space<vmem>> -> memref<1x128xi32, #tpu.memory_space<vmem>>
      %dma_start3A_55 = tpu.memref_squeeze %dma_start3A_54 : memref<1x128xi32, #tpu.memory_space<vmem>> -> memref<128xi32, #tpu.memory_space<vmem>>
      %dma_start3A_56 = arith.constant 0 : i32
      %dma_start3A_57 = arith.constant 0 : i32
      %dma_start3A_58 = tpu.memref_slice %arg2[%dma_start3A_56, %dma_start3A_57] : memref<20000x128xf32, #tpu.memory_space<hbm>> -> memref<20000x128xf32, #tpu.memory_space<hbm>>
      tpu.enqueue_indirect_dma source(%dma_start3A_58 : memref<20000x128xf32, #tpu.memory_space<hbm>>) target(%arg8 : memref<128x128xf32, #tpu.memory_space<vmem>>) offsets(%dma_start3A_55 : memref<128xi32, #tpu.memory_space<vmem>>) semaphore(%arg11 : memref<!tpu.dma_semaphore, #tpu.memory_space<semaphore_mem>>)
      %dma_wait3A_59 = arith.constant 2 : i32
      %dma_wait3A_60 = arith.constant 0 : i32
      %dma_wait3A_61 = tpu.memref_slice %arg6[%dma_wait3A_59, %dma_wait3A_60] : memref<4x128xi32, #tpu.memory_space<vmem>> -> memref<1x128xi32, #tpu.memory_space<vmem>>
      %dma_wait3A_62 = tpu.memref_squeeze %dma_wait3A_61 : memref<1x128xi32, #tpu.memory_space<vmem>> -> memref<128xi32, #tpu.memory_space<vmem>>
      %dma_wait3A_63 = arith.constant 0 : i32
      %dma_wait3A_64 = arith.constant 0 : i32
      %dma_wait3A_65 = tpu.memref_slice %arg2[%dma_wait3A_63, %dma_wait3A_64] : memref<20000x128xf32, #tpu.memory_space<hbm>> -> memref<20000x128xf32, #tpu.memory_space<hbm>>
      tpu.wait_indirect_dma semaphore(%arg11 : memref<!tpu.dma_semaphore, #tpu.memory_space<semaphore_mem>>) src(%dma_wait3A_65 : memref<20000x128xf32, #tpu.memory_space<hbm>>) dst(%arg8 : memref<128x128xf32, #tpu.memory_space<vmem>>)
      %run_scoped3A_66 = arith.constant 3 : i32
      "tpu.region"() ({
        %run_scoped3A_67 = tpu.sem_alloc : memref<!tpu.dma_semaphore, #tpu.memory_space<semaphore_mem>>
        %dma_start3A_68 = arith.constant 0 : i32
        %dma_start3A_69 = tpu.memref_slice %arg6[%run_scoped3A_66, %dma_start3A_68] : memref<4x128xi32, #tpu.memory_space<vmem>> -> memref<1x128xi32, #tpu.memory_space<vmem>>
        %dma_start3A_70 = tpu.memref_squeeze %dma_start3A_69 : memref<1x128xi32, #tpu.memory_space<vmem>> -> memref<128xi32, #tpu.memory_space<vmem>>
        %dma_start3A_71 = arith.constant 0 : i32
        %dma_start3A_72 = arith.constant 0 : i32
        %dma_start3A_73 = tpu.memref_slice %arg9[%dma_start3A_71, %dma_start3A_72] : memref<10016x128xf32, #tpu.memory_space<vmem_shared>> -> memref<10016x128xf32, #tpu.memory_space<vmem_shared>>
        tpu.enqueue_indirect_dma source(%arg8 : memref<128x128xf32, #tpu.memory_space<vmem>>) target(%dma_start3A_73 : memref<10016x128xf32, #tpu.memory_space<vmem_shared>>) offsets(%dma_start3A_70 : memref<128xi32, #tpu.memory_space<vmem>>) semaphore(%run_scoped3A_67 : memref<!tpu.dma_semaphore, #tpu.memory_space<semaphore_mem>>) {add = true}
        %dma_wait3A_74 = arith.constant 0 : i32
        %dma_wait3A_75 = tpu.memref_slice %arg6[%run_scoped3A_66, %dma_wait3A_74] : memref<4x128xi32, #tpu.memory_space<vmem>> -> memref<1x128xi32, #tpu.memory_space<vmem>>
        %dma_wait3A_76 = tpu.memref_squeeze %dma_wait3A_75 : memref<1x128xi32, #tpu.memory_space<vmem>> -> memref<128xi32, #tpu.memory_space<vmem>>
        %dma_wait3A_77 = arith.constant 0 : i32
        %dma_wait3A_78 = arith.constant 0 : i32
        %dma_wait3A_79 = tpu.memref_slice %arg9[%dma_wait3A_77, %dma_wait3A_78] : memref<10016x128xf32, #tpu.memory_space<vmem_shared>> -> memref<10016x128xf32, #tpu.memory_space<vmem_shared>>
        tpu.wait_indirect_dma semaphore(%run_scoped3A_67 : memref<!tpu.dma_semaphore, #tpu.memory_space<semaphore_mem>>) src(%arg8 : memref<128x128xf32, #tpu.memory_space<vmem>>) dst(%dma_wait3A_79 : memref<10016x128xf32, #tpu.memory_space<vmem_shared>>)
        tpu.yield
      }) : () -> ()
    }
    %scan3A_27 = arith.constant 80 : i32
    %barrier3A_28 = arith.constant 0 : index
    tpu.barrier barrier_id(%barrier3A_28)
    %mul3A_29 = arith.constant 624 : i32
    %mul3A_30 = arith.muli %arg1, %mul3A_29 : i32
    %mul3A_31 = arith.constant 624 : i32
    %mul3A_32 = arith.muli %arg1, %mul3A_31 : i32
    "tpu.region"() ({
      %run_scoped3A = tpu.sem_alloc : memref<!tpu.dma_semaphore, #tpu.memory_space<semaphore_mem>>
      %dma_start3A = arith.constant 0 : i32
      %dma_start3A_38 = tpu.memref_slice %arg5[%arg0, %mul3A_32, %dma_start3A] : memref<2x10000x128xf32, #tpu.memory_space<hbm>> -> memref<1x624x128xf32, #tpu.memory_space<hbm>>
      %dma_start3A_39 = tpu.memref_squeeze %dma_start3A_38 : memref<1x624x128xf32, #tpu.memory_space<hbm>> -> memref<624x128xf32, #tpu.memory_space<hbm>>
      %dma_start3A_40 = arith.constant 0 : i32
      %dma_start3A_41 = tpu.memref_slice %arg9[%mul3A_30, %dma_start3A_40] : memref<10016x128xf32, #tpu.memory_space<vmem_shared>> -> memref<624x128xf32, #tpu.memory_space<vmem_shared>>
      tpu.enqueue_dma source(%dma_start3A_41 : memref<624x128xf32, #tpu.memory_space<vmem_shared>>) target(%dma_start3A_39 : memref<624x128xf32, #tpu.memory_space<hbm>>) target_semaphore(%run_scoped3A : memref<!tpu.dma_semaphore, #tpu.memory_space<semaphore_mem>>)
      %dma_wait3A = arith.constant 0 : i32
      %dma_wait3A_42 = tpu.memref_slice %arg5[%arg0, %mul3A_32, %dma_wait3A] : memref<2x10000x128xf32, #tpu.memory_space<hbm>> -> memref<1x624x128xf32, #tpu.memory_space<hbm>>
      %dma_wait3A_43 = tpu.memref_squeeze %dma_wait3A_42 : memref<1x624x128xf32, #tpu.memory_space<hbm>> -> memref<624x128xf32, #tpu.memory_space<hbm>>
      %dma_wait3A_44 = arith.constant 0 : i32
      %dma_wait3A_45 = tpu.memref_slice %arg9[%mul3A_30, %dma_wait3A_44] : memref<10016x128xf32, #tpu.memory_space<vmem_shared>> -> memref<624x128xf32, #tpu.memory_space<vmem_shared>>
      tpu.wait_dma2 semaphore(%run_scoped3A : memref<!tpu.dma_semaphore, #tpu.memory_space<semaphore_mem>>) src(%dma_wait3A_45 : memref<624x128xf32, #tpu.memory_space<vmem_shared>>) dst(%dma_wait3A_43 : memref<624x128xf32, #tpu.memory_space<hbm>>)
      tpu.yield
    }) : () -> ()
    %eq3A_33 = arith.constant 0 : i32
    %eq3A_34 = arith.cmpi eq, %arg1, %eq3A_33 : i32
    %convert_element_type3A_35 = arith.extui %eq3A_34 : i1 to i32
    %cond3A_36 = arith.constant 0 : i32
    %cond3A_37 = arith.cmpi ne, %convert_element_type3A_35, %cond3A_36 : i32
    scf.if %cond3A_37 {
      "tpu.region"() ({
        %run_scoped3A = tpu.sem_alloc : memref<!tpu.dma_semaphore, #tpu.memory_space<semaphore_mem>>
        %dma_start3A = arith.constant 9984 : i32
        %dma_start3A_38 = arith.constant 0 : i32
        %dma_start3A_39 = tpu.memref_slice %arg5[%arg0, %dma_start3A, %dma_start3A_38] : memref<2x10000x128xf32, #tpu.memory_space<hbm>> -> memref<1x16x128xf32, #tpu.memory_space<hbm>>
        %dma_start3A_40 = tpu.memref_squeeze %dma_start3A_39 : memref<1x16x128xf32, #tpu.memory_space<hbm>> -> memref<16x128xf32, #tpu.memory_space<hbm>>
        %dma_start3A_41 = arith.constant 9984 : i32
        %dma_start3A_42 = arith.constant 0 : i32
        %dma_start3A_43 = tpu.memref_slice %arg9[%dma_start3A_41, %dma_start3A_42] : memref<10016x128xf32, #tpu.memory_space<vmem_shared>> -> memref<16x128xf32, #tpu.memory_space<vmem_shared>>
        tpu.enqueue_dma source(%dma_start3A_43 : memref<16x128xf32, #tpu.memory_space<vmem_shared>>) target(%dma_start3A_40 : memref<16x128xf32, #tpu.memory_space<hbm>>) target_semaphore(%run_scoped3A : memref<!tpu.dma_semaphore, #tpu.memory_space<semaphore_mem>>)
        %dma_wait3A = arith.constant 9984 : i32
        %dma_wait3A_44 = arith.constant 0 : i32
        %dma_wait3A_45 = tpu.memref_slice %arg5[%arg0, %dma_wait3A, %dma_wait3A_44] : memref<2x10000x128xf32, #tpu.memory_space<hbm>> -> memref<1x16x128xf32, #tpu.memory_space<hbm>>
        %dma_wait3A_46 = tpu.memref_squeeze %dma_wait3A_45 : memref<1x16x128xf32, #tpu.memory_space<hbm>> -> memref<16x128xf32, #tpu.memory_space<hbm>>
        %dma_wait3A_47 = arith.constant 9984 : i32
        %dma_wait3A_48 = arith.constant 0 : i32
        %dma_wait3A_49 = tpu.memref_slice %arg9[%dma_wait3A_47, %dma_wait3A_48] : memref<10016x128xf32, #tpu.memory_space<vmem_shared>> -> memref<16x128xf32, #tpu.memory_space<vmem_shared>>
        tpu.wait_dma2 semaphore(%run_scoped3A : memref<!tpu.dma_semaphore, #tpu.memory_space<semaphore_mem>>) src(%dma_wait3A_49 : memref<16x128xf32, #tpu.memory_space<vmem_shared>>) dst(%dma_wait3A_46 : memref<16x128xf32, #tpu.memory_space<hbm>>)
        tpu.yield
      }) : () -> ()
    } else {
    }
    return
  }
}

#map = affine_map<(d0, d1) -> (0, 0)>
#map1 = affine_map<(d0, d1) -> (0, 0, 0)>
module attributes {stable_mosaic.version = 14 : i64} {
  func.func @_agg_sc(%arg0: i32, %arg1: i32, %arg2: memref<20000x128xf32, #tpu.memory_space<hbm>>, %arg3: memref<2560x4x128xi32, #tpu.memory_space<hbm>>, %arg4: memref<624x128xf32, #tpu.memory_space<hbm>>, %arg5: memref<2x10000x128xf32, #tpu.memory_space<hbm>>, %arg6: memref<4x128xi32, #tpu.memory_space<vmem>>, %arg7: memref<128x128xf32, #tpu.memory_space<vmem>>, %arg8: memref<128x128xf32, #tpu.memory_space<vmem>>, %arg9: memref<10016x128xf32, #tpu.memory_space<vmem_shared>>, %arg10: memref<!tpu.dma_semaphore, #tpu.memory_space<semaphore_mem>>, %arg11: memref<!tpu.dma_semaphore, #tpu.memory_space<semaphore_mem>>) attributes {dimension_semantics = [#tpu.dimension_semantics<core_parallel>, #tpu.dimension_semantics<subcore_parallel>], iteration_bounds = array<i64: 2, 16>, scalar_prefetch = 0 : i64, scratch_operands = 6 : i64, tpu.core_type = #tpu.core_type<sc_vector_subcore>, window_params = [{transform_indices = #map}, {transform_indices = #map1}, {transform_indices = #map}, {transform_indices = #map1}]} {
    %mul3A = arith.constant 2560 : i32
    %mul3A_0 = arith.muli %arg0, %mul3A : i32
    %mul3A_1 = arith.constant 160 : i32
    %mul3A_2 = arith.muli %arg1, %mul3A_1 : i32
    %add3A = arith.addi %mul3A_0, %mul3A_2 : i32
    %jit3A = arith.constant 2 : i32
    %div3A = arith.divsi %add3A, %jit3A : i32
    %sign3A = arith.constant 0 : i32
    %sign3A_3 = arith.cmpi sgt, %add3A, %sign3A : i32
    %sign3A_4 = arith.extui %sign3A_3 : i1 to i32
    %sign3A_5 = arith.constant 0 : i32
    %sign3A_6 = arith.cmpi slt, %add3A, %sign3A_5 : i32
    %sign3A_7 = arith.extui %sign3A_6 : i1 to i32
    %sign3A_8 = arith.subi %sign3A_4, %sign3A_7 : i32
    %sign3A_9 = arith.constant 0 : i32
    %sign3A_10 = arith.cmpi sgt, %jit3A, %sign3A_9 : i32
    %sign3A_11 = arith.extui %sign3A_10 : i1 to i32
    %sign3A_12 = arith.constant 0 : i32
    %sign3A_13 = arith.cmpi slt, %jit3A, %sign3A_12 : i32
    %sign3A_14 = arith.extui %sign3A_13 : i1 to i32
    %sign3A_15 = arith.subi %sign3A_11, %sign3A_14 : i32
    %ne3A = arith.cmpi ne, %sign3A_8, %sign3A_15 : i32
    %rem3A = arith.remsi %add3A, %jit3A : i32
    %ne3A_16 = arith.constant 0 : i32
    %ne3A_17 = arith.cmpi ne, %rem3A, %ne3A_16 : i32
    %and3A = arith.andi %ne3A, %ne3A_17 : i1
    %sub3A = arith.constant 1 : i32
    %sub3A_18 = arith.subi %div3A, %sub3A : i32
    %select_n3A = arith.select %and3A, %sub3A_18, %div3A : i32
    %mul3A_19 = arith.constant 624 : i32
    %mul3A_20 = arith.muli %arg1, %mul3A_19 : i32
    "tpu.region"() ({
      %run_scoped3A = tpu.sem_alloc : memref<!tpu.dma_semaphore, #tpu.memory_space<semaphore_mem>>
      %dma_start3A = arith.constant 0 : i32
      %dma_start3A_38 = tpu.memref_slice %arg9[%mul3A_20, %dma_start3A] : memref<10016x128xf32, #tpu.memory_space<vmem_shared>> -> memref<624x128xf32, #tpu.memory_space<vmem_shared>>
      %dma_start3A_39 = arith.constant 0 : i32
      %dma_start3A_40 = arith.constant 0 : i32
      %dma_start3A_41 = tpu.memref_slice %arg4[%dma_start3A_39, %dma_start3A_40] : memref<624x128xf32, #tpu.memory_space<hbm>> -> memref<624x128xf32, #tpu.memory_space<hbm>>
      tpu.enqueue_dma source(%dma_start3A_41 : memref<624x128xf32, #tpu.memory_space<hbm>>) target(%dma_start3A_38 : memref<624x128xf32, #tpu.memory_space<vmem_shared>>) target_semaphore(%run_scoped3A : memref<!tpu.dma_semaphore, #tpu.memory_space<semaphore_mem>>)
      %dma_wait3A = arith.constant 0 : i32
      %dma_wait3A_42 = tpu.memref_slice %arg9[%mul3A_20, %dma_wait3A] : memref<10016x128xf32, #tpu.memory_space<vmem_shared>> -> memref<624x128xf32, #tpu.memory_space<vmem_shared>>
      %dma_wait3A_43 = arith.constant 0 : i32
      %dma_wait3A_44 = arith.constant 0 : i32
      %dma_wait3A_45 = tpu.memref_slice %arg4[%dma_wait3A_43, %dma_wait3A_44] : memref<624x128xf32, #tpu.memory_space<hbm>> -> memref<624x128xf32, #tpu.memory_space<hbm>>
      tpu.wait_dma2 semaphore(%run_scoped3A : memref<!tpu.dma_semaphore, #tpu.memory_space<semaphore_mem>>) src(%dma_wait3A_45 : memref<624x128xf32, #tpu.memory_space<hbm>>) dst(%dma_wait3A_42 : memref<624x128xf32, #tpu.memory_space<vmem_shared>>)
      tpu.yield
    }) : () -> ()
    %eq3A = arith.constant 0 : i32
    %eq3A_21 = arith.cmpi eq, %arg1, %eq3A : i32
    %convert_element_type3A = arith.extui %eq3A_21 : i1 to i32
    %cond3A = arith.constant 0 : i32
    %cond3A_22 = arith.cmpi ne, %convert_element_type3A, %cond3A : i32
    scf.if %cond3A_22 {
      "tpu.region"() ({
        %run_scoped3A = tpu.sem_alloc : memref<!tpu.dma_semaphore, #tpu.memory_space<semaphore_mem>>
        %dma_start3A = arith.constant 9984 : i32
        %dma_start3A_38 = arith.constant 0 : i32
        %dma_start3A_39 = tpu.memref_slice %arg9[%dma_start3A, %dma_start3A_38] : memref<10016x128xf32, #tpu.memory_space<vmem_shared>> -> memref<16x128xf32, #tpu.memory_space<vmem_shared>>
        %dma_start3A_40 = arith.constant 0 : i32
        %dma_start3A_41 = arith.constant 0 : i32
        %dma_start3A_42 = tpu.memref_slice %arg4[%dma_start3A_40, %dma_start3A_41] : memref<624x128xf32, #tpu.memory_space<hbm>> -> memref<16x128xf32, #tpu.memory_space<hbm>>
        tpu.enqueue_dma source(%dma_start3A_42 : memref<16x128xf32, #tpu.memory_space<hbm>>) target(%dma_start3A_39 : memref<16x128xf32, #tpu.memory_space<vmem_shared>>) target_semaphore(%run_scoped3A : memref<!tpu.dma_semaphore, #tpu.memory_space<semaphore_mem>>)
        %dma_wait3A = arith.constant 9984 : i32
        %dma_wait3A_43 = arith.constant 0 : i32
        %dma_wait3A_44 = tpu.memref_slice %arg9[%dma_wait3A, %dma_wait3A_43] : memref<10016x128xf32, #tpu.memory_space<vmem_shared>> -> memref<16x128xf32, #tpu.memory_space<vmem_shared>>
        %dma_wait3A_45 = arith.constant 0 : i32
        %dma_wait3A_46 = arith.constant 0 : i32
        %dma_wait3A_47 = tpu.memref_slice %arg4[%dma_wait3A_45, %dma_wait3A_46] : memref<624x128xf32, #tpu.memory_space<hbm>> -> memref<16x128xf32, #tpu.memory_space<hbm>>
        tpu.wait_dma2 semaphore(%run_scoped3A : memref<!tpu.dma_semaphore, #tpu.memory_space<semaphore_mem>>) src(%dma_wait3A_47 : memref<16x128xf32, #tpu.memory_space<hbm>>) dst(%dma_wait3A_44 : memref<16x128xf32, #tpu.memory_space<vmem_shared>>)
        tpu.yield
      }) : () -> ()
    } else {
    }
    %barrier3A = arith.constant 0 : index
    tpu.barrier barrier_id(%barrier3A)
    %scan3A = arith.constant 0 : i32
    %scan3A_23 = arith.constant 0 : i32
    %scan3A_24 = arith.constant 80 : i32
    %scan3A_25 = arith.addi %scan3A_23, %scan3A_24 : i32
    %scan3A_26 = arith.constant 1 : i32
    scf.for %scan3A_38 = %scan3A_23 to %scan3A_25 step %scan3A_26  : i32 {
      %add3A_39 = arith.addi %select_n3A, %scan3A_38 : i32
      "tpu.region"() ({
        %run_scoped3A_67 = tpu.sem_alloc : memref<!tpu.dma_semaphore, #tpu.memory_space<semaphore_mem>>
        %dma_start3A_68 = arith.constant 0 : i32
        %dma_start3A_69 = arith.constant 0 : i32
        %dma_start3A_70 = tpu.memref_slice %arg3[%add3A_39, %dma_start3A_68, %dma_start3A_69] : memref<2560x4x128xi32, #tpu.memory_space<hbm>> -> memref<1x4x128xi32, #tpu.memory_space<hbm>>
        %dma_start3A_71 = tpu.memref_squeeze %dma_start3A_70 : memref<1x4x128xi32, #tpu.memory_space<hbm>> -> memref<4x128xi32, #tpu.memory_space<hbm>>
        %dma_start3A_72 = arith.constant 0 : i32
        %dma_start3A_73 = arith.constant 0 : i32
        %dma_start3A_74 = tpu.memref_slice %arg3[%add3A_39, %dma_start3A_72, %dma_start3A_73] : memref<2560x4x128xi32, #tpu.memory_space<hbm>> -> memref<1x4x128xi32, #tpu.memory_space<hbm>>
        %dma_start3A_75 = tpu.memref_squeeze %dma_start3A_74 : memref<1x4x128xi32, #tpu.memory_space<hbm>> -> memref<4x128xi32, #tpu.memory_space<hbm>>
        tpu.enqueue_dma source(%dma_start3A_75 : memref<4x128xi32, #tpu.memory_space<hbm>>) target(%arg6 : memref<4x128xi32, #tpu.memory_space<vmem>>) target_semaphore(%run_scoped3A_67 : memref<!tpu.dma_semaphore, #tpu.memory_space<semaphore_mem>>)
        %dma_wait3A_76 = arith.constant 0 : i32
        %dma_wait3A_77 = arith.constant 0 : i32
        %dma_wait3A_78 = tpu.memref_slice %arg3[%add3A_39, %dma_wait3A_76, %dma_wait3A_77] : memref<2560x4x128xi32, #tpu.memory_space<hbm>> -> memref<1x4x128xi32, #tpu.memory_space<hbm>>
        %dma_wait3A_79 = tpu.memref_squeeze %dma_wait3A_78 : memref<1x4x128xi32, #tpu.memory_space<hbm>> -> memref<4x128xi32, #tpu.memory_space<hbm>>
        %dma_wait3A_80 = arith.constant 0 : i32
        %dma_wait3A_81 = arith.constant 0 : i32
        %dma_wait3A_82 = tpu.memref_slice %arg3[%add3A_39, %dma_wait3A_80, %dma_wait3A_81] : memref<2560x4x128xi32, #tpu.memory_space<hbm>> -> memref<1x4x128xi32, #tpu.memory_space<hbm>>
        %dma_wait3A_83 = tpu.memref_squeeze %dma_wait3A_82 : memref<1x4x128xi32, #tpu.memory_space<hbm>> -> memref<4x128xi32, #tpu.memory_space<hbm>>
        tpu.wait_dma2 semaphore(%run_scoped3A_67 : memref<!tpu.dma_semaphore, #tpu.memory_space<semaphore_mem>>) src(%dma_wait3A_83 : memref<4x128xi32, #tpu.memory_space<hbm>>) dst(%arg6 : memref<4x128xi32, #tpu.memory_space<vmem>>)
        tpu.yield
      }) : () -> ()
      %dma_start3A = arith.constant 0 : i32
      %dma_start3A_40 = arith.constant 0 : i32
      %dma_start3A_41 = tpu.memref_slice %arg6[%dma_start3A, %dma_start3A_40] : memref<4x128xi32, #tpu.memory_space<vmem>> -> memref<1x128xi32, #tpu.memory_space<vmem>>
      %dma_start3A_42 = tpu.memref_squeeze %dma_start3A_41 : memref<1x128xi32, #tpu.memory_space<vmem>> -> memref<128xi32, #tpu.memory_space<vmem>>
      %dma_start3A_43 = arith.constant 0 : i32
      %dma_start3A_44 = arith.constant 0 : i32
      %dma_start3A_45 = tpu.memref_slice %arg2[%dma_start3A_43, %dma_start3A_44] : memref<20000x128xf32, #tpu.memory_space<hbm>> -> memref<20000x128xf32, #tpu.memory_space<hbm>>
      tpu.enqueue_indirect_dma source(%dma_start3A_45 : memref<20000x128xf32, #tpu.memory_space<hbm>>) target(%arg7 : memref<128x128xf32, #tpu.memory_space<vmem>>) offsets(%dma_start3A_42 : memref<128xi32, #tpu.memory_space<vmem>>) semaphore(%arg10 : memref<!tpu.dma_semaphore, #tpu.memory_space<semaphore_mem>>)
      %dma_wait3A = arith.constant 0 : i32
      %dma_wait3A_46 = arith.constant 0 : i32
      %dma_wait3A_47 = tpu.memref_slice %arg6[%dma_wait3A, %dma_wait3A_46] : memref<4x128xi32, #tpu.memory_space<vmem>> -> memref<1x128xi32, #tpu.memory_space<vmem>>
      %dma_wait3A_48 = tpu.memref_squeeze %dma_wait3A_47 : memref<1x128xi32, #tpu.memory_space<vmem>> -> memref<128xi32, #tpu.memory_space<vmem>>
      %dma_wait3A_49 = arith.constant 0 : i32
      %dma_wait3A_50 = arith.constant 0 : i32
      %dma_wait3A_51 = tpu.memref_slice %arg2[%dma_wait3A_49, %dma_wait3A_50] : memref<20000x128xf32, #tpu.memory_space<hbm>> -> memref<20000x128xf32, #tpu.memory_space<hbm>>
      tpu.wait_indirect_dma semaphore(%arg10 : memref<!tpu.dma_semaphore, #tpu.memory_space<semaphore_mem>>) src(%dma_wait3A_51 : memref<20000x128xf32, #tpu.memory_space<hbm>>) dst(%arg7 : memref<128x128xf32, #tpu.memory_space<vmem>>)
      %run_scoped3A = arith.constant 1 : i32
      "tpu.region"() ({
        %run_scoped3A_67 = tpu.sem_alloc : memref<!tpu.dma_semaphore, #tpu.memory_space<semaphore_mem>>
        %dma_start3A_68 = arith.constant 0 : i32
        %dma_start3A_69 = tpu.memref_slice %arg6[%run_scoped3A, %dma_start3A_68] : memref<4x128xi32, #tpu.memory_space<vmem>> -> memref<1x128xi32, #tpu.memory_space<vmem>>
        %dma_start3A_70 = tpu.memref_squeeze %dma_start3A_69 : memref<1x128xi32, #tpu.memory_space<vmem>> -> memref<128xi32, #tpu.memory_space<vmem>>
        %dma_start3A_71 = arith.constant 0 : i32
        %dma_start3A_72 = arith.constant 0 : i32
        %dma_start3A_73 = tpu.memref_slice %arg9[%dma_start3A_71, %dma_start3A_72] : memref<10016x128xf32, #tpu.memory_space<vmem_shared>> -> memref<10016x128xf32, #tpu.memory_space<vmem_shared>>
        tpu.enqueue_indirect_dma source(%arg7 : memref<128x128xf32, #tpu.memory_space<vmem>>) target(%dma_start3A_73 : memref<10016x128xf32, #tpu.memory_space<vmem_shared>>) offsets(%dma_start3A_70 : memref<128xi32, #tpu.memory_space<vmem>>) semaphore(%run_scoped3A_67 : memref<!tpu.dma_semaphore, #tpu.memory_space<semaphore_mem>>) {add = true}
        %dma_wait3A_74 = arith.constant 0 : i32
        %dma_wait3A_75 = tpu.memref_slice %arg6[%run_scoped3A, %dma_wait3A_74] : memref<4x128xi32, #tpu.memory_space<vmem>> -> memref<1x128xi32, #tpu.memory_space<vmem>>
        %dma_wait3A_76 = tpu.memref_squeeze %dma_wait3A_75 : memref<1x128xi32, #tpu.memory_space<vmem>> -> memref<128xi32, #tpu.memory_space<vmem>>
        %dma_wait3A_77 = arith.constant 0 : i32
        %dma_wait3A_78 = arith.constant 0 : i32
        %dma_wait3A_79 = tpu.memref_slice %arg9[%dma_wait3A_77, %dma_wait3A_78] : memref<10016x128xf32, #tpu.memory_space<vmem_shared>> -> memref<10016x128xf32, #tpu.memory_space<vmem_shared>>
        tpu.wait_indirect_dma semaphore(%run_scoped3A_67 : memref<!tpu.dma_semaphore, #tpu.memory_space<semaphore_mem>>) src(%arg7 : memref<128x128xf32, #tpu.memory_space<vmem>>) dst(%dma_wait3A_79 : memref<10016x128xf32, #tpu.memory_space<vmem_shared>>)
        tpu.yield
      }) : () -> ()
      %dma_start3A_52 = arith.constant 2 : i32
      %dma_start3A_53 = arith.constant 0 : i32
      %dma_start3A_54 = tpu.memref_slice %arg6[%dma_start3A_52, %dma_start3A_53] : memref<4x128xi32, #tpu.memory_space<vmem>> -> memref<1x128xi32, #tpu.memory_space<vmem>>
      %dma_start3A_55 = tpu.memref_squeeze %dma_start3A_54 : memref<1x128xi32, #tpu.memory_space<vmem>> -> memref<128xi32, #tpu.memory_space<vmem>>
      %dma_start3A_56 = arith.constant 0 : i32
      %dma_start3A_57 = arith.constant 0 : i32
      %dma_start3A_58 = tpu.memref_slice %arg2[%dma_start3A_56, %dma_start3A_57] : memref<20000x128xf32, #tpu.memory_space<hbm>> -> memref<20000x128xf32, #tpu.memory_space<hbm>>
      tpu.enqueue_indirect_dma source(%dma_start3A_58 : memref<20000x128xf32, #tpu.memory_space<hbm>>) target(%arg8 : memref<128x128xf32, #tpu.memory_space<vmem>>) offsets(%dma_start3A_55 : memref<128xi32, #tpu.memory_space<vmem>>) semaphore(%arg11 : memref<!tpu.dma_semaphore, #tpu.memory_space<semaphore_mem>>)
      %dma_wait3A_59 = arith.constant 2 : i32
      %dma_wait3A_60 = arith.constant 0 : i32
      %dma_wait3A_61 = tpu.memref_slice %arg6[%dma_wait3A_59, %dma_wait3A_60] : memref<4x128xi32, #tpu.memory_space<vmem>> -> memref<1x128xi32, #tpu.memory_space<vmem>>
      %dma_wait3A_62 = tpu.memref_squeeze %dma_wait3A_61 : memref<1x128xi32, #tpu.memory_space<vmem>> -> memref<128xi32, #tpu.memory_space<vmem>>
      %dma_wait3A_63 = arith.constant 0 : i32
      %dma_wait3A_64 = arith.constant 0 : i32
      %dma_wait3A_65 = tpu.memref_slice %arg2[%dma_wait3A_63, %dma_wait3A_64] : memref<20000x128xf32, #tpu.memory_space<hbm>> -> memref<20000x128xf32, #tpu.memory_space<hbm>>
      tpu.wait_indirect_dma semaphore(%arg11 : memref<!tpu.dma_semaphore, #tpu.memory_space<semaphore_mem>>) src(%dma_wait3A_65 : memref<20000x128xf32, #tpu.memory_space<hbm>>) dst(%arg8 : memref<128x128xf32, #tpu.memory_space<vmem>>)
      %run_scoped3A_66 = arith.constant 3 : i32
      "tpu.region"() ({
        %run_scoped3A_67 = tpu.sem_alloc : memref<!tpu.dma_semaphore, #tpu.memory_space<semaphore_mem>>
        %dma_start3A_68 = arith.constant 0 : i32
        %dma_start3A_69 = tpu.memref_slice %arg6[%run_scoped3A_66, %dma_start3A_68] : memref<4x128xi32, #tpu.memory_space<vmem>> -> memref<1x128xi32, #tpu.memory_space<vmem>>
        %dma_start3A_70 = tpu.memref_squeeze %dma_start3A_69 : memref<1x128xi32, #tpu.memory_space<vmem>> -> memref<128xi32, #tpu.memory_space<vmem>>
        %dma_start3A_71 = arith.constant 0 : i32
        %dma_start3A_72 = arith.constant 0 : i32
        %dma_start3A_73 = tpu.memref_slice %arg9[%dma_start3A_71, %dma_start3A_72] : memref<10016x128xf32, #tpu.memory_space<vmem_shared>> -> memref<10016x128xf32, #tpu.memory_space<vmem_shared>>
        tpu.enqueue_indirect_dma source(%arg8 : memref<128x128xf32, #tpu.memory_space<vmem>>) target(%dma_start3A_73 : memref<10016x128xf32, #tpu.memory_space<vmem_shared>>) offsets(%dma_start3A_70 : memref<128xi32, #tpu.memory_space<vmem>>) semaphore(%run_scoped3A_67 : memref<!tpu.dma_semaphore, #tpu.memory_space<semaphore_mem>>) {add = true}
        %dma_wait3A_74 = arith.constant 0 : i32
        %dma_wait3A_75 = tpu.memref_slice %arg6[%run_scoped3A_66, %dma_wait3A_74] : memref<4x128xi32, #tpu.memory_space<vmem>> -> memref<1x128xi32, #tpu.memory_space<vmem>>
        %dma_wait3A_76 = tpu.memref_squeeze %dma_wait3A_75 : memref<1x128xi32, #tpu.memory_space<vmem>> -> memref<128xi32, #tpu.memory_space<vmem>>
        %dma_wait3A_77 = arith.constant 0 : i32
        %dma_wait3A_78 = arith.constant 0 : i32
        %dma_wait3A_79 = tpu.memref_slice %arg9[%dma_wait3A_77, %dma_wait3A_78] : memref<10016x128xf32, #tpu.memory_space<vmem_shared>> -> memref<10016x128xf32, #tpu.memory_space<vmem_shared>>
        tpu.wait_indirect_dma semaphore(%run_scoped3A_67 : memref<!tpu.dma_semaphore, #tpu.memory_space<semaphore_mem>>) src(%arg8 : memref<128x128xf32, #tpu.memory_space<vmem>>) dst(%dma_wait3A_79 : memref<10016x128xf32, #tpu.memory_space<vmem_shared>>)
        tpu.yield
      }) : () -> ()
    }
    %scan3A_27 = arith.constant 80 : i32
    %barrier3A_28 = arith.constant 0 : index
    tpu.barrier barrier_id(%barrier3A_28)
    %mul3A_29 = arith.constant 624 : i32
    %mul3A_30 = arith.muli %arg1, %mul3A_29 : i32
    %mul3A_31 = arith.constant 624 : i32
    %mul3A_32 = arith.muli %arg1, %mul3A_31 : i32
    "tpu.region"() ({
      %run_scoped3A = tpu.sem_alloc : memref<!tpu.dma_semaphore, #tpu.memory_space<semaphore_mem>>
      %dma_start3A = arith.constant 0 : i32
      %dma_start3A_38 = tpu.memref_slice %arg5[%arg0, %mul3A_32, %dma_start3A] : memref<2x10000x128xf32, #tpu.memory_space<hbm>> -> memref<1x624x128xf32, #tpu.memory_space<hbm>>
      %dma_start3A_39 = tpu.memref_squeeze %dma_start3A_38 : memref<1x624x128xf32, #tpu.memory_space<hbm>> -> memref<624x128xf32, #tpu.memory_space<hbm>>
      %dma_start3A_40 = arith.constant 0 : i32
      %dma_start3A_41 = tpu.memref_slice %arg9[%mul3A_30, %dma_start3A_40] : memref<10016x128xf32, #tpu.memory_space<vmem_shared>> -> memref<624x128xf32, #tpu.memory_space<vmem_shared>>
      tpu.enqueue_dma source(%dma_start3A_41 : memref<624x128xf32, #tpu.memory_space<vmem_shared>>) target(%dma_start3A_39 : memref<624x128xf32, #tpu.memory_space<hbm>>) target_semaphore(%run_scoped3A : memref<!tpu.dma_semaphore, #tpu.memory_space<semaphore_mem>>)
      %dma_wait3A = arith.constant 0 : i32
      %dma_wait3A_42 = tpu.memref_slice %arg5[%arg0, %mul3A_32, %dma_wait3A] : memref<2x10000x128xf32, #tpu.memory_space<hbm>> -> memref<1x624x128xf32, #tpu.memory_space<hbm>>
      %dma_wait3A_43 = tpu.memref_squeeze %dma_wait3A_42 : memref<1x624x128xf32, #tpu.memory_space<hbm>> -> memref<624x128xf32, #tpu.memory_space<hbm>>
      %dma_wait3A_44 = arith.constant 0 : i32
      %dma_wait3A_45 = tpu.memref_slice %arg9[%mul3A_30, %dma_wait3A_44] : memref<10016x128xf32, #tpu.memory_space<vmem_shared>> -> memref<624x128xf32, #tpu.memory_space<vmem_shared>>
      tpu.wait_dma2 semaphore(%run_scoped3A : memref<!tpu.dma_semaphore, #tpu.memory_space<semaphore_mem>>) src(%dma_wait3A_45 : memref<624x128xf32, #tpu.memory_space<vmem_shared>>) dst(%dma_wait3A_43 : memref<624x128xf32, #tpu.memory_space<hbm>>)
      tpu.yield
    }) : () -> ()
    %eq3A_33 = arith.constant 0 : i32
    %eq3A_34 = arith.cmpi eq, %arg1, %eq3A_33 : i32
    %convert_element_type3A_35 = arith.extui %eq3A_34 : i1 to i32
    %cond3A_36 = arith.constant 0 : i32
    %cond3A_37 = arith.cmpi ne, %convert_element_type3A_35, %cond3A_36 : i32
    scf.if %cond3A_37 {
      "tpu.region"() ({
        %run_scoped3A = tpu.sem_alloc : memref<!tpu.dma_semaphore, #tpu.memory_space<semaphore_mem>>
        %dma_start3A = arith.constant 9984 : i32
        %dma_start3A_38 = arith.constant 0 : i32
        %dma_start3A_39 = tpu.memref_slice %arg5[%arg0, %dma_start3A, %dma_start3A_38] : memref<2x10000x128xf32, #tpu.memory_space<hbm>> -> memref<1x16x128xf32, #tpu.memory_space<hbm>>
        %dma_start3A_40 = tpu.memref_squeeze %dma_start3A_39 : memref<1x16x128xf32, #tpu.memory_space<hbm>> -> memref<16x128xf32, #tpu.memory_space<hbm>>
        %dma_start3A_41 = arith.constant 9984 : i32
        %dma_start3A_42 = arith.constant 0 : i32
        %dma_start3A_43 = tpu.memref_slice %arg9[%dma_start3A_41, %dma_start3A_42] : memref<10016x128xf32, #tpu.memory_space<vmem_shared>> -> memref<16x128xf32, #tpu.memory_space<vmem_shared>>
        tpu.enqueue_dma source(%dma_start3A_43 : memref<16x128xf32, #tpu.memory_space<vmem_shared>>) target(%dma_start3A_40 : memref<16x128xf32, #tpu.memory_space<hbm>>) target_semaphore(%run_scoped3A : memref<!tpu.dma_semaphore, #tpu.memory_space<semaphore_mem>>)
        %dma_wait3A = arith.constant 9984 : i32
        %dma_wait3A_44 = arith.constant 0 : i32
        %dma_wait3A_45 = tpu.memref_slice %arg5[%arg0, %dma_wait3A, %dma_wait3A_44] : memref<2x10000x128xf32, #tpu.memory_space<hbm>> -> memref<1x16x128xf32, #tpu.memory_space<hbm>>
        %dma_wait3A_46 = tpu.memref_squeeze %dma_wait3A_45 : memref<1x16x128xf32, #tpu.memory_space<hbm>> -> memref<16x128xf32, #tpu.memory_space<hbm>>
        %dma_wait3A_47 = arith.constant 9984 : i32
        %dma_wait3A_48 = arith.constant 0 : i32
        %dma_wait3A_49 = tpu.memref_slice %arg9[%dma_wait3A_47, %dma_wait3A_48] : memref<10016x128xf32, #tpu.memory_space<vmem_shared>> -> memref<16x128xf32, #tpu.memory_space<vmem_shared>>
        tpu.wait_dma2 semaphore(%run_scoped3A : memref<!tpu.dma_semaphore, #tpu.memory_space<semaphore_mem>>) src(%dma_wait3A_49 : memref<16x128xf32, #tpu.memory_space<vmem_shared>>) dst(%dma_wait3A_46 : memref<16x128xf32, #tpu.memory_space<hbm>>)
        tpu.yield
      }) : () -> ()
    } else {
    }
    return
  }
}

#map = affine_map<(d0, d1) -> (0, 0)>
#map1 = affine_map<(d0, d1) -> (0, 0, 0)>
module attributes {stable_mosaic.version = 14 : i64} {
  func.func @_agg_sc(%arg0: i32, %arg1: i32, %arg2: memref<20000x128xf32, #tpu.memory_space<hbm>>, %arg3: memref<2560x4x128xi32, #tpu.memory_space<hbm>>, %arg4: memref<624x128xf32, #tpu.memory_space<hbm>>, %arg5: memref<2x10000x128xf32, #tpu.memory_space<hbm>>, %arg6: memref<4x128xi32, #tpu.memory_space<vmem>>, %arg7: memref<128x128xf32, #tpu.memory_space<vmem>>, %arg8: memref<128x128xf32, #tpu.memory_space<vmem>>, %arg9: memref<10016x128xf32, #tpu.memory_space<vmem_shared>>, %arg10: memref<!tpu.dma_semaphore, #tpu.memory_space<semaphore_mem>>, %arg11: memref<!tpu.dma_semaphore, #tpu.memory_space<semaphore_mem>>) attributes {dimension_semantics = [#tpu.dimension_semantics<core_parallel>, #tpu.dimension_semantics<subcore_parallel>], iteration_bounds = array<i64: 2, 16>, scalar_prefetch = 0 : i64, scratch_operands = 6 : i64, tpu.core_type = #tpu.core_type<sc_vector_subcore>, window_params = [{transform_indices = #map}, {transform_indices = #map1}, {transform_indices = #map}, {transform_indices = #map1}]} {
    %mul3A = arith.constant 2560 : i32
    %mul3A_0 = arith.muli %arg0, %mul3A : i32
    %mul3A_1 = arith.constant 160 : i32
    %mul3A_2 = arith.muli %arg1, %mul3A_1 : i32
    %add3A = arith.addi %mul3A_0, %mul3A_2 : i32
    %jit3A = arith.constant 2 : i32
    %div3A = arith.divsi %add3A, %jit3A : i32
    %sign3A = arith.constant 0 : i32
    %sign3A_3 = arith.cmpi sgt, %add3A, %sign3A : i32
    %sign3A_4 = arith.extui %sign3A_3 : i1 to i32
    %sign3A_5 = arith.constant 0 : i32
    %sign3A_6 = arith.cmpi slt, %add3A, %sign3A_5 : i32
    %sign3A_7 = arith.extui %sign3A_6 : i1 to i32
    %sign3A_8 = arith.subi %sign3A_4, %sign3A_7 : i32
    %sign3A_9 = arith.constant 0 : i32
    %sign3A_10 = arith.cmpi sgt, %jit3A, %sign3A_9 : i32
    %sign3A_11 = arith.extui %sign3A_10 : i1 to i32
    %sign3A_12 = arith.constant 0 : i32
    %sign3A_13 = arith.cmpi slt, %jit3A, %sign3A_12 : i32
    %sign3A_14 = arith.extui %sign3A_13 : i1 to i32
    %sign3A_15 = arith.subi %sign3A_11, %sign3A_14 : i32
    %ne3A = arith.cmpi ne, %sign3A_8, %sign3A_15 : i32
    %rem3A = arith.remsi %add3A, %jit3A : i32
    %ne3A_16 = arith.constant 0 : i32
    %ne3A_17 = arith.cmpi ne, %rem3A, %ne3A_16 : i32
    %and3A = arith.andi %ne3A, %ne3A_17 : i1
    %sub3A = arith.constant 1 : i32
    %sub3A_18 = arith.subi %div3A, %sub3A : i32
    %select_n3A = arith.select %and3A, %sub3A_18, %div3A : i32
    %mul3A_19 = arith.constant 624 : i32
    %mul3A_20 = arith.muli %arg1, %mul3A_19 : i32
    "tpu.region"() ({
      %run_scoped3A = tpu.sem_alloc : memref<!tpu.dma_semaphore, #tpu.memory_space<semaphore_mem>>
      %dma_start3A = arith.constant 0 : i32
      %dma_start3A_38 = tpu.memref_slice %arg9[%mul3A_20, %dma_start3A] : memref<10016x128xf32, #tpu.memory_space<vmem_shared>> -> memref<624x128xf32, #tpu.memory_space<vmem_shared>>
      %dma_start3A_39 = arith.constant 0 : i32
      %dma_start3A_40 = arith.constant 0 : i32
      %dma_start3A_41 = tpu.memref_slice %arg4[%dma_start3A_39, %dma_start3A_40] : memref<624x128xf32, #tpu.memory_space<hbm>> -> memref<624x128xf32, #tpu.memory_space<hbm>>
      tpu.enqueue_dma source(%dma_start3A_41 : memref<624x128xf32, #tpu.memory_space<hbm>>) target(%dma_start3A_38 : memref<624x128xf32, #tpu.memory_space<vmem_shared>>) target_semaphore(%run_scoped3A : memref<!tpu.dma_semaphore, #tpu.memory_space<semaphore_mem>>)
      %dma_wait3A = arith.constant 0 : i32
      %dma_wait3A_42 = tpu.memref_slice %arg9[%mul3A_20, %dma_wait3A] : memref<10016x128xf32, #tpu.memory_space<vmem_shared>> -> memref<624x128xf32, #tpu.memory_space<vmem_shared>>
      %dma_wait3A_43 = arith.constant 0 : i32
      %dma_wait3A_44 = arith.constant 0 : i32
      %dma_wait3A_45 = tpu.memref_slice %arg4[%dma_wait3A_43, %dma_wait3A_44] : memref<624x128xf32, #tpu.memory_space<hbm>> -> memref<624x128xf32, #tpu.memory_space<hbm>>
      tpu.wait_dma2 semaphore(%run_scoped3A : memref<!tpu.dma_semaphore, #tpu.memory_space<semaphore_mem>>) src(%dma_wait3A_45 : memref<624x128xf32, #tpu.memory_space<hbm>>) dst(%dma_wait3A_42 : memref<624x128xf32, #tpu.memory_space<vmem_shared>>)
      tpu.yield
    }) : () -> ()
    %eq3A = arith.constant 0 : i32
    %eq3A_21 = arith.cmpi eq, %arg1, %eq3A : i32
    %convert_element_type3A = arith.extui %eq3A_21 : i1 to i32
    %cond3A = arith.constant 0 : i32
    %cond3A_22 = arith.cmpi ne, %convert_element_type3A, %cond3A : i32
    scf.if %cond3A_22 {
      "tpu.region"() ({
        %run_scoped3A = tpu.sem_alloc : memref<!tpu.dma_semaphore, #tpu.memory_space<semaphore_mem>>
        %dma_start3A = arith.constant 9984 : i32
        %dma_start3A_38 = arith.constant 0 : i32
        %dma_start3A_39 = tpu.memref_slice %arg9[%dma_start3A, %dma_start3A_38] : memref<10016x128xf32, #tpu.memory_space<vmem_shared>> -> memref<16x128xf32, #tpu.memory_space<vmem_shared>>
        %dma_start3A_40 = arith.constant 0 : i32
        %dma_start3A_41 = arith.constant 0 : i32
        %dma_start3A_42 = tpu.memref_slice %arg4[%dma_start3A_40, %dma_start3A_41] : memref<624x128xf32, #tpu.memory_space<hbm>> -> memref<16x128xf32, #tpu.memory_space<hbm>>
        tpu.enqueue_dma source(%dma_start3A_42 : memref<16x128xf32, #tpu.memory_space<hbm>>) target(%dma_start3A_39 : memref<16x128xf32, #tpu.memory_space<vmem_shared>>) target_semaphore(%run_scoped3A : memref<!tpu.dma_semaphore, #tpu.memory_space<semaphore_mem>>)
        %dma_wait3A = arith.constant 9984 : i32
        %dma_wait3A_43 = arith.constant 0 : i32
        %dma_wait3A_44 = tpu.memref_slice %arg9[%dma_wait3A, %dma_wait3A_43] : memref<10016x128xf32, #tpu.memory_space<vmem_shared>> -> memref<16x128xf32, #tpu.memory_space<vmem_shared>>
        %dma_wait3A_45 = arith.constant 0 : i32
        %dma_wait3A_46 = arith.constant 0 : i32
        %dma_wait3A_47 = tpu.memref_slice %arg4[%dma_wait3A_45, %dma_wait3A_46] : memref<624x128xf32, #tpu.memory_space<hbm>> -> memref<16x128xf32, #tpu.memory_space<hbm>>
        tpu.wait_dma2 semaphore(%run_scoped3A : memref<!tpu.dma_semaphore, #tpu.memory_space<semaphore_mem>>) src(%dma_wait3A_47 : memref<16x128xf32, #tpu.memory_space<hbm>>) dst(%dma_wait3A_44 : memref<16x128xf32, #tpu.memory_space<vmem_shared>>)
        tpu.yield
      }) : () -> ()
    } else {
    }
    %barrier3A = arith.constant 0 : index
    tpu.barrier barrier_id(%barrier3A)
    %scan3A = arith.constant 0 : i32
    %scan3A_23 = arith.constant 0 : i32
    %scan3A_24 = arith.constant 80 : i32
    %scan3A_25 = arith.addi %scan3A_23, %scan3A_24 : i32
    %scan3A_26 = arith.constant 1 : i32
    scf.for %scan3A_38 = %scan3A_23 to %scan3A_25 step %scan3A_26  : i32 {
      %add3A_39 = arith.addi %select_n3A, %scan3A_38 : i32
      "tpu.region"() ({
        %run_scoped3A_67 = tpu.sem_alloc : memref<!tpu.dma_semaphore, #tpu.memory_space<semaphore_mem>>
        %dma_start3A_68 = arith.constant 0 : i32
        %dma_start3A_69 = arith.constant 0 : i32
        %dma_start3A_70 = tpu.memref_slice %arg3[%add3A_39, %dma_start3A_68, %dma_start3A_69] : memref<2560x4x128xi32, #tpu.memory_space<hbm>> -> memref<1x4x128xi32, #tpu.memory_space<hbm>>
        %dma_start3A_71 = tpu.memref_squeeze %dma_start3A_70 : memref<1x4x128xi32, #tpu.memory_space<hbm>> -> memref<4x128xi32, #tpu.memory_space<hbm>>
        %dma_start3A_72 = arith.constant 0 : i32
        %dma_start3A_73 = arith.constant 0 : i32
        %dma_start3A_74 = tpu.memref_slice %arg3[%add3A_39, %dma_start3A_72, %dma_start3A_73] : memref<2560x4x128xi32, #tpu.memory_space<hbm>> -> memref<1x4x128xi32, #tpu.memory_space<hbm>>
        %dma_start3A_75 = tpu.memref_squeeze %dma_start3A_74 : memref<1x4x128xi32, #tpu.memory_space<hbm>> -> memref<4x128xi32, #tpu.memory_space<hbm>>
        tpu.enqueue_dma source(%dma_start3A_75 : memref<4x128xi32, #tpu.memory_space<hbm>>) target(%arg6 : memref<4x128xi32, #tpu.memory_space<vmem>>) target_semaphore(%run_scoped3A_67 : memref<!tpu.dma_semaphore, #tpu.memory_space<semaphore_mem>>)
        %dma_wait3A_76 = arith.constant 0 : i32
        %dma_wait3A_77 = arith.constant 0 : i32
        %dma_wait3A_78 = tpu.memref_slice %arg3[%add3A_39, %dma_wait3A_76, %dma_wait3A_77] : memref<2560x4x128xi32, #tpu.memory_space<hbm>> -> memref<1x4x128xi32, #tpu.memory_space<hbm>>
        %dma_wait3A_79 = tpu.memref_squeeze %dma_wait3A_78 : memref<1x4x128xi32, #tpu.memory_space<hbm>> -> memref<4x128xi32, #tpu.memory_space<hbm>>
        %dma_wait3A_80 = arith.constant 0 : i32
        %dma_wait3A_81 = arith.constant 0 : i32
        %dma_wait3A_82 = tpu.memref_slice %arg3[%add3A_39, %dma_wait3A_80, %dma_wait3A_81] : memref<2560x4x128xi32, #tpu.memory_space<hbm>> -> memref<1x4x128xi32, #tpu.memory_space<hbm>>
        %dma_wait3A_83 = tpu.memref_squeeze %dma_wait3A_82 : memref<1x4x128xi32, #tpu.memory_space<hbm>> -> memref<4x128xi32, #tpu.memory_space<hbm>>
        tpu.wait_dma2 semaphore(%run_scoped3A_67 : memref<!tpu.dma_semaphore, #tpu.memory_space<semaphore_mem>>) src(%dma_wait3A_83 : memref<4x128xi32, #tpu.memory_space<hbm>>) dst(%arg6 : memref<4x128xi32, #tpu.memory_space<vmem>>)
        tpu.yield
      }) : () -> ()
      %dma_start3A = arith.constant 0 : i32
      %dma_start3A_40 = arith.constant 0 : i32
      %dma_start3A_41 = tpu.memref_slice %arg6[%dma_start3A, %dma_start3A_40] : memref<4x128xi32, #tpu.memory_space<vmem>> -> memref<1x128xi32, #tpu.memory_space<vmem>>
      %dma_start3A_42 = tpu.memref_squeeze %dma_start3A_41 : memref<1x128xi32, #tpu.memory_space<vmem>> -> memref<128xi32, #tpu.memory_space<vmem>>
      %dma_start3A_43 = arith.constant 0 : i32
      %dma_start3A_44 = arith.constant 0 : i32
      %dma_start3A_45 = tpu.memref_slice %arg2[%dma_start3A_43, %dma_start3A_44] : memref<20000x128xf32, #tpu.memory_space<hbm>> -> memref<20000x128xf32, #tpu.memory_space<hbm>>
      tpu.enqueue_indirect_dma source(%dma_start3A_45 : memref<20000x128xf32, #tpu.memory_space<hbm>>) target(%arg7 : memref<128x128xf32, #tpu.memory_space<vmem>>) offsets(%dma_start3A_42 : memref<128xi32, #tpu.memory_space<vmem>>) semaphore(%arg10 : memref<!tpu.dma_semaphore, #tpu.memory_space<semaphore_mem>>)
      %dma_wait3A = arith.constant 0 : i32
      %dma_wait3A_46 = arith.constant 0 : i32
      %dma_wait3A_47 = tpu.memref_slice %arg6[%dma_wait3A, %dma_wait3A_46] : memref<4x128xi32, #tpu.memory_space<vmem>> -> memref<1x128xi32, #tpu.memory_space<vmem>>
      %dma_wait3A_48 = tpu.memref_squeeze %dma_wait3A_47 : memref<1x128xi32, #tpu.memory_space<vmem>> -> memref<128xi32, #tpu.memory_space<vmem>>
      %dma_wait3A_49 = arith.constant 0 : i32
      %dma_wait3A_50 = arith.constant 0 : i32
      %dma_wait3A_51 = tpu.memref_slice %arg2[%dma_wait3A_49, %dma_wait3A_50] : memref<20000x128xf32, #tpu.memory_space<hbm>> -> memref<20000x128xf32, #tpu.memory_space<hbm>>
      tpu.wait_indirect_dma semaphore(%arg10 : memref<!tpu.dma_semaphore, #tpu.memory_space<semaphore_mem>>) src(%dma_wait3A_51 : memref<20000x128xf32, #tpu.memory_space<hbm>>) dst(%arg7 : memref<128x128xf32, #tpu.memory_space<vmem>>)
      %run_scoped3A = arith.constant 1 : i32
      "tpu.region"() ({
        %run_scoped3A_67 = tpu.sem_alloc : memref<!tpu.dma_semaphore, #tpu.memory_space<semaphore_mem>>
        %dma_start3A_68 = arith.constant 0 : i32
        %dma_start3A_69 = tpu.memref_slice %arg6[%run_scoped3A, %dma_start3A_68] : memref<4x128xi32, #tpu.memory_space<vmem>> -> memref<1x128xi32, #tpu.memory_space<vmem>>
        %dma_start3A_70 = tpu.memref_squeeze %dma_start3A_69 : memref<1x128xi32, #tpu.memory_space<vmem>> -> memref<128xi32, #tpu.memory_space<vmem>>
        %dma_start3A_71 = arith.constant 0 : i32
        %dma_start3A_72 = arith.constant 0 : i32
        %dma_start3A_73 = tpu.memref_slice %arg9[%dma_start3A_71, %dma_start3A_72] : memref<10016x128xf32, #tpu.memory_space<vmem_shared>> -> memref<10016x128xf32, #tpu.memory_space<vmem_shared>>
        tpu.enqueue_indirect_dma source(%arg7 : memref<128x128xf32, #tpu.memory_space<vmem>>) target(%dma_start3A_73 : memref<10016x128xf32, #tpu.memory_space<vmem_shared>>) offsets(%dma_start3A_70 : memref<128xi32, #tpu.memory_space<vmem>>) semaphore(%run_scoped3A_67 : memref<!tpu.dma_semaphore, #tpu.memory_space<semaphore_mem>>) {add = true}
        %dma_wait3A_74 = arith.constant 0 : i32
        %dma_wait3A_75 = tpu.memref_slice %arg6[%run_scoped3A, %dma_wait3A_74] : memref<4x128xi32, #tpu.memory_space<vmem>> -> memref<1x128xi32, #tpu.memory_space<vmem>>
        %dma_wait3A_76 = tpu.memref_squeeze %dma_wait3A_75 : memref<1x128xi32, #tpu.memory_space<vmem>> -> memref<128xi32, #tpu.memory_space<vmem>>
        %dma_wait3A_77 = arith.constant 0 : i32
        %dma_wait3A_78 = arith.constant 0 : i32
        %dma_wait3A_79 = tpu.memref_slice %arg9[%dma_wait3A_77, %dma_wait3A_78] : memref<10016x128xf32, #tpu.memory_space<vmem_shared>> -> memref<10016x128xf32, #tpu.memory_space<vmem_shared>>
        tpu.wait_indirect_dma semaphore(%run_scoped3A_67 : memref<!tpu.dma_semaphore, #tpu.memory_space<semaphore_mem>>) src(%arg7 : memref<128x128xf32, #tpu.memory_space<vmem>>) dst(%dma_wait3A_79 : memref<10016x128xf32, #tpu.memory_space<vmem_shared>>)
        tpu.yield
      }) : () -> ()
      %dma_start3A_52 = arith.constant 2 : i32
      %dma_start3A_53 = arith.constant 0 : i32
      %dma_start3A_54 = tpu.memref_slice %arg6[%dma_start3A_52, %dma_start3A_53] : memref<4x128xi32, #tpu.memory_space<vmem>> -> memref<1x128xi32, #tpu.memory_space<vmem>>
      %dma_start3A_55 = tpu.memref_squeeze %dma_start3A_54 : memref<1x128xi32, #tpu.memory_space<vmem>> -> memref<128xi32, #tpu.memory_space<vmem>>
      %dma_start3A_56 = arith.constant 0 : i32
      %dma_start3A_57 = arith.constant 0 : i32
      %dma_start3A_58 = tpu.memref_slice %arg2[%dma_start3A_56, %dma_start3A_57] : memref<20000x128xf32, #tpu.memory_space<hbm>> -> memref<20000x128xf32, #tpu.memory_space<hbm>>
      tpu.enqueue_indirect_dma source(%dma_start3A_58 : memref<20000x128xf32, #tpu.memory_space<hbm>>) target(%arg8 : memref<128x128xf32, #tpu.memory_space<vmem>>) offsets(%dma_start3A_55 : memref<128xi32, #tpu.memory_space<vmem>>) semaphore(%arg11 : memref<!tpu.dma_semaphore, #tpu.memory_space<semaphore_mem>>)
      %dma_wait3A_59 = arith.constant 2 : i32
      %dma_wait3A_60 = arith.constant 0 : i32
      %dma_wait3A_61 = tpu.memref_slice %arg6[%dma_wait3A_59, %dma_wait3A_60] : memref<4x128xi32, #tpu.memory_space<vmem>> -> memref<1x128xi32, #tpu.memory_space<vmem>>
      %dma_wait3A_62 = tpu.memref_squeeze %dma_wait3A_61 : memref<1x128xi32, #tpu.memory_space<vmem>> -> memref<128xi32, #tpu.memory_space<vmem>>
      %dma_wait3A_63 = arith.constant 0 : i32
      %dma_wait3A_64 = arith.constant 0 : i32
      %dma_wait3A_65 = tpu.memref_slice %arg2[%dma_wait3A_63, %dma_wait3A_64] : memref<20000x128xf32, #tpu.memory_space<hbm>> -> memref<20000x128xf32, #tpu.memory_space<hbm>>
      tpu.wait_indirect_dma semaphore(%arg11 : memref<!tpu.dma_semaphore, #tpu.memory_space<semaphore_mem>>) src(%dma_wait3A_65 : memref<20000x128xf32, #tpu.memory_space<hbm>>) dst(%arg8 : memref<128x128xf32, #tpu.memory_space<vmem>>)
      %run_scoped3A_66 = arith.constant 3 : i32
      "tpu.region"() ({
        %run_scoped3A_67 = tpu.sem_alloc : memref<!tpu.dma_semaphore, #tpu.memory_space<semaphore_mem>>
        %dma_start3A_68 = arith.constant 0 : i32
        %dma_start3A_69 = tpu.memref_slice %arg6[%run_scoped3A_66, %dma_start3A_68] : memref<4x128xi32, #tpu.memory_space<vmem>> -> memref<1x128xi32, #tpu.memory_space<vmem>>
        %dma_start3A_70 = tpu.memref_squeeze %dma_start3A_69 : memref<1x128xi32, #tpu.memory_space<vmem>> -> memref<128xi32, #tpu.memory_space<vmem>>
        %dma_start3A_71 = arith.constant 0 : i32
        %dma_start3A_72 = arith.constant 0 : i32
        %dma_start3A_73 = tpu.memref_slice %arg9[%dma_start3A_71, %dma_start3A_72] : memref<10016x128xf32, #tpu.memory_space<vmem_shared>> -> memref<10016x128xf32, #tpu.memory_space<vmem_shared>>
        tpu.enqueue_indirect_dma source(%arg8 : memref<128x128xf32, #tpu.memory_space<vmem>>) target(%dma_start3A_73 : memref<10016x128xf32, #tpu.memory_space<vmem_shared>>) offsets(%dma_start3A_70 : memref<128xi32, #tpu.memory_space<vmem>>) semaphore(%run_scoped3A_67 : memref<!tpu.dma_semaphore, #tpu.memory_space<semaphore_mem>>) {add = true}
        %dma_wait3A_74 = arith.constant 0 : i32
        %dma_wait3A_75 = tpu.memref_slice %arg6[%run_scoped3A_66, %dma_wait3A_74] : memref<4x128xi32, #tpu.memory_space<vmem>> -> memref<1x128xi32, #tpu.memory_space<vmem>>
        %dma_wait3A_76 = tpu.memref_squeeze %dma_wait3A_75 : memref<1x128xi32, #tpu.memory_space<vmem>> -> memref<128xi32, #tpu.memory_space<vmem>>
        %dma_wait3A_77 = arith.constant 0 : i32
        %dma_wait3A_78 = arith.constant 0 : i32
        %dma_wait3A_79 = tpu.memref_slice %arg9[%dma_wait3A_77, %dma_wait3A_78] : memref<10016x128xf32, #tpu.memory_space<vmem_shared>> -> memref<10016x128xf32, #tpu.memory_space<vmem_shared>>
        tpu.wait_indirect_dma semaphore(%run_scoped3A_67 : memref<!tpu.dma_semaphore, #tpu.memory_space<semaphore_mem>>) src(%arg8 : memref<128x128xf32, #tpu.memory_space<vmem>>) dst(%dma_wait3A_79 : memref<10016x128xf32, #tpu.memory_space<vmem_shared>>)
        tpu.yield
      }) : () -> ()
    }
    %scan3A_27 = arith.constant 80 : i32
    %barrier3A_28 = arith.constant 0 : index
    tpu.barrier barrier_id(%barrier3A_28)
    %mul3A_29 = arith.constant 624 : i32
    %mul3A_30 = arith.muli %arg1, %mul3A_29 : i32
    %mul3A_31 = arith.constant 624 : i32
    %mul3A_32 = arith.muli %arg1, %mul3A_31 : i32
    "tpu.region"() ({
      %run_scoped3A = tpu.sem_alloc : memref<!tpu.dma_semaphore, #tpu.memory_space<semaphore_mem>>
      %dma_start3A = arith.constant 0 : i32
      %dma_start3A_38 = tpu.memref_slice %arg5[%arg0, %mul3A_32, %dma_start3A] : memref<2x10000x128xf32, #tpu.memory_space<hbm>> -> memref<1x624x128xf32, #tpu.memory_space<hbm>>
      %dma_start3A_39 = tpu.memref_squeeze %dma_start3A_38 : memref<1x624x128xf32, #tpu.memory_space<hbm>> -> memref<624x128xf32, #tpu.memory_space<hbm>>
      %dma_start3A_40 = arith.constant 0 : i32
      %dma_start3A_41 = tpu.memref_slice %arg9[%mul3A_30, %dma_start3A_40] : memref<10016x128xf32, #tpu.memory_space<vmem_shared>> -> memref<624x128xf32, #tpu.memory_space<vmem_shared>>
      tpu.enqueue_dma source(%dma_start3A_41 : memref<624x128xf32, #tpu.memory_space<vmem_shared>>) target(%dma_start3A_39 : memref<624x128xf32, #tpu.memory_space<hbm>>) target_semaphore(%run_scoped3A : memref<!tpu.dma_semaphore, #tpu.memory_space<semaphore_mem>>)
      %dma_wait3A = arith.constant 0 : i32
      %dma_wait3A_42 = tpu.memref_slice %arg5[%arg0, %mul3A_32, %dma_wait3A] : memref<2x10000x128xf32, #tpu.memory_space<hbm>> -> memref<1x624x128xf32, #tpu.memory_space<hbm>>
      %dma_wait3A_43 = tpu.memref_squeeze %dma_wait3A_42 : memref<1x624x128xf32, #tpu.memory_space<hbm>> -> memref<624x128xf32, #tpu.memory_space<hbm>>
      %dma_wait3A_44 = arith.constant 0 : i32
      %dma_wait3A_45 = tpu.memref_slice %arg9[%mul3A_30, %dma_wait3A_44] : memref<10016x128xf32, #tpu.memory_space<vmem_shared>> -> memref<624x128xf32, #tpu.memory_space<vmem_shared>>
      tpu.wait_dma2 semaphore(%run_scoped3A : memref<!tpu.dma_semaphore, #tpu.memory_space<semaphore_mem>>) src(%dma_wait3A_45 : memref<624x128xf32, #tpu.memory_space<vmem_shared>>) dst(%dma_wait3A_43 : memref<624x128xf32, #tpu.memory_space<hbm>>)
      tpu.yield
    }) : () -> ()
    %eq3A_33 = arith.constant 0 : i32
    %eq3A_34 = arith.cmpi eq, %arg1, %eq3A_33 : i32
    %convert_element_type3A_35 = arith.extui %eq3A_34 : i1 to i32
    %cond3A_36 = arith.constant 0 : i32
    %cond3A_37 = arith.cmpi ne, %convert_element_type3A_35, %cond3A_36 : i32
    scf.if %cond3A_37 {
      "tpu.region"() ({
        %run_scoped3A = tpu.sem_alloc : memref<!tpu.dma_semaphore, #tpu.memory_space<semaphore_mem>>
        %dma_start3A = arith.constant 9984 : i32
        %dma_start3A_38 = arith.constant 0 : i32
        %dma_start3A_39 = tpu.memref_slice %arg5[%arg0, %dma_start3A, %dma_start3A_38] : memref<2x10000x128xf32, #tpu.memory_space<hbm>> -> memref<1x16x128xf32, #tpu.memory_space<hbm>>
        %dma_start3A_40 = tpu.memref_squeeze %dma_start3A_39 : memref<1x16x128xf32, #tpu.memory_space<hbm>> -> memref<16x128xf32, #tpu.memory_space<hbm>>
        %dma_start3A_41 = arith.constant 9984 : i32
        %dma_start3A_42 = arith.constant 0 : i32
        %dma_start3A_43 = tpu.memref_slice %arg9[%dma_start3A_41, %dma_start3A_42] : memref<10016x128xf32, #tpu.memory_space<vmem_shared>> -> memref<16x128xf32, #tpu.memory_space<vmem_shared>>
        tpu.enqueue_dma source(%dma_start3A_43 : memref<16x128xf32, #tpu.memory_space<vmem_shared>>) target(%dma_start3A_40 : memref<16x128xf32, #tpu.memory_space<hbm>>) target_semaphore(%run_scoped3A : memref<!tpu.dma_semaphore, #tpu.memory_space<semaphore_mem>>)
        %dma_wait3A = arith.constant 9984 : i32
        %dma_wait3A_44 = arith.constant 0 : i32
        %dma_wait3A_45 = tpu.memref_slice %arg5[%arg0, %dma_wait3A, %dma_wait3A_44] : memref<2x10000x128xf32, #tpu.memory_space<hbm>> -> memref<1x16x128xf32, #tpu.memory_space<hbm>>
        %dma_wait3A_46 = tpu.memref_squeeze %dma_wait3A_45 : memref<1x16x128xf32, #tpu.memory_space<hbm>> -> memref<16x128xf32, #tpu.memory_space<hbm>>
        %dma_wait3A_47 = arith.constant 9984 : i32
        %dma_wait3A_48 = arith.constant 0 : i32
        %dma_wait3A_49 = tpu.memref_slice %arg9[%dma_wait3A_47, %dma_wait3A_48] : memref<10016x128xf32, #tpu.memory_space<vmem_shared>> -> memref<16x128xf32, #tpu.memory_space<vmem_shared>>
        tpu.wait_dma2 semaphore(%run_scoped3A : memref<!tpu.dma_semaphore, #tpu.memory_space<semaphore_mem>>) src(%dma_wait3A_49 : memref<16x128xf32, #tpu.memory_space<vmem_shared>>) dst(%dma_wait3A_46 : memref<16x128xf32, #tpu.memory_space<hbm>>)
        tpu.yield
      }) : () -> ()
    } else {
    }
    return
  }
}

#map = affine_map<(d0, d1) -> (0, 0)>
#map1 = affine_map<(d0, d1) -> (0, 0, 0)>
module attributes {stable_mosaic.version = 14 : i64} {
  func.func @_deg_sc(%arg0: i32, %arg1: i32, %arg2: memref<5120x128xi32, #tpu.memory_space<hbm>>, %arg3: memref<624x16xf32, #tpu.memory_space<hbm>>, %arg4: memref<2x10000x16xf32, #tpu.memory_space<hbm>>, %arg5: memref<128x16xf32, #tpu.memory_space<vmem>>, %arg6: memref<160x128xi32, #tpu.memory_space<vmem>>, %arg7: memref<10016x16xf32, #tpu.memory_space<vmem_shared>>) attributes {dimension_semantics = [#tpu.dimension_semantics<core_parallel>, #tpu.dimension_semantics<subcore_parallel>], iteration_bounds = array<i64: 2, 16>, scalar_prefetch = 0 : i64, scratch_operands = 3 : i64, tpu.core_type = #tpu.core_type<sc_vector_subcore>, window_params = [{transform_indices = #map}, {transform_indices = #map}, {transform_indices = #map1}]} {
    %scan3A = arith.constant 0 : i32
    %scan3A_0 = arith.constant 0 : i32
    %scan3A_1 = arith.constant 128 : i32
    %scan3A_2 = arith.addi %scan3A_0, %scan3A_1 : i32
    %scan3A_3 = arith.constant 1 : i32
    scf.for %scan3A_28 = %scan3A_0 to %scan3A_2 step %scan3A_3  : i32 {
      %broadcast_in_dim3A = arith.constant 1.000000e+00 : f32
      %broadcast_in_dim3A_29 = vector.broadcast %broadcast_in_dim3A : f32 to vector<16xf32>
      %swap3A = arith.index_cast %scan3A_28 : i32 to index
      %swap3A_30 = arith.constant 0 : index
      %swap3A_31 = tpu.vector_load %arg5[%swap3A, %swap3A_30] {strides = array<i32>} : memref<128x16xf32, #tpu.memory_space<vmem>>, vector<1x16xf32>,
      %swap3A_32 = vector.shape_cast %swap3A_31 : vector<1x16xf32> to vector<16xf32>
      %swap3A_33 = vector.shape_cast %broadcast_in_dim3A_29 : vector<16xf32> to vector<1x16xf32>
      tpu.vector_store %arg5[%swap3A, %swap3A_30], %swap3A_33 {strides = array<i32>} : memref<128x16xf32, #tpu.memory_space<vmem>>, vector<1x16xf32>,
    }
    %scan3A_4 = arith.constant 128 : i32
    %mul3A = arith.constant 2560 : i32
    %mul3A_5 = arith.muli %arg0, %mul3A : i32
    %mul3A_6 = arith.constant 160 : i32
    %mul3A_7 = arith.muli %arg1, %mul3A_6 : i32
    %add3A = arith.addi %mul3A_5, %mul3A_7 : i32
    "tpu.region"() ({
      %run_scoped3A = tpu.sem_alloc : memref<!tpu.dma_semaphore, #tpu.memory_space<semaphore_mem>>
      %dma_start3A = arith.constant 0 : i32
      %dma_start3A_28 = tpu.memref_slice %arg2[%add3A, %dma_start3A] : memref<5120x128xi32, #tpu.memory_space<hbm>> -> memref<160x128xi32, #tpu.memory_space<hbm>>
      %dma_start3A_29 = arith.constant 0 : i32
      %dma_start3A_30 = tpu.memref_slice %arg2[%add3A, %dma_start3A_29] : memref<5120x128xi32, #tpu.memory_space<hbm>> -> memref<160x128xi32, #tpu.memory_space<hbm>>
      tpu.enqueue_dma source(%dma_start3A_30 : memref<160x128xi32, #tpu.memory_space<hbm>>) target(%arg6 : memref<160x128xi32, #tpu.memory_space<vmem>>) target_semaphore(%run_scoped3A : memref<!tpu.dma_semaphore, #tpu.memory_space<semaphore_mem>>)
      %dma_wait3A = arith.constant 0 : i32
      %dma_wait3A_31 = tpu.memref_slice %arg2[%add3A, %dma_wait3A] : memref<5120x128xi32, #tpu.memory_space<hbm>> -> memref<160x128xi32, #tpu.memory_space<hbm>>
      %dma_wait3A_32 = arith.constant 0 : i32
      %dma_wait3A_33 = tpu.memref_slice %arg2[%add3A, %dma_wait3A_32] : memref<5120x128xi32, #tpu.memory_space<hbm>> -> memref<160x128xi32, #tpu.memory_space<hbm>>
      tpu.wait_dma2 semaphore(%run_scoped3A : memref<!tpu.dma_semaphore, #tpu.memory_space<semaphore_mem>>) src(%dma_wait3A_33 : memref<160x128xi32, #tpu.memory_space<hbm>>) dst(%arg6 : memref<160x128xi32, #tpu.memory_space<vmem>>)
      tpu.yield
    }) : () -> ()
    %mul3A_8 = arith.constant 624 : i32
    %mul3A_9 = arith.muli %arg1, %mul3A_8 : i32
    "tpu.region"() ({
      %run_scoped3A = tpu.sem_alloc : memref<!tpu.dma_semaphore, #tpu.memory_space<semaphore_mem>>
      %dma_start3A = arith.constant 0 : i32
      %dma_start3A_28 = tpu.memref_slice %arg7[%mul3A_9, %dma_start3A] : memref<10016x16xf32, #tpu.memory_space<vmem_shared>> -> memref<624x16xf32, #tpu.memory_space<vmem_shared>>
      %dma_start3A_29 = arith.constant 0 : i32
      %dma_start3A_30 = arith.constant 0 : i32
      %dma_start3A_31 = tpu.memref_slice %arg3[%dma_start3A_29, %dma_start3A_30] : memref<624x16xf32, #tpu.memory_space<hbm>> -> memref<624x16xf32, #tpu.memory_space<hbm>>
      tpu.enqueue_dma source(%dma_start3A_31 : memref<624x16xf32, #tpu.memory_space<hbm>>) target(%dma_start3A_28 : memref<624x16xf32, #tpu.memory_space<vmem_shared>>) target_semaphore(%run_scoped3A : memref<!tpu.dma_semaphore, #tpu.memory_space<semaphore_mem>>)
      %dma_wait3A = arith.constant 0 : i32
      %dma_wait3A_32 = tpu.memref_slice %arg7[%mul3A_9, %dma_wait3A] : memref<10016x16xf32, #tpu.memory_space<vmem_shared>> -> memref<624x16xf32, #tpu.memory_space<vmem_shared>>
      %dma_wait3A_33 = arith.constant 0 : i32
      %dma_wait3A_34 = arith.constant 0 : i32
      %dma_wait3A_35 = tpu.memref_slice %arg3[%dma_wait3A_33, %dma_wait3A_34] : memref<624x16xf32, #tpu.memory_space<hbm>> -> memref<624x16xf32, #tpu.memory_space<hbm>>
      tpu.wait_dma2 semaphore(%run_scoped3A : memref<!tpu.dma_semaphore, #tpu.memory_space<semaphore_mem>>) src(%dma_wait3A_35 : memref<624x16xf32, #tpu.memory_space<hbm>>) dst(%dma_wait3A_32 : memref<624x16xf32, #tpu.memory_space<vmem_shared>>)
      tpu.yield
    }) : () -> ()
    %eq3A = arith.constant 0 : i32
    %eq3A_10 = arith.cmpi eq, %arg1, %eq3A : i32
    %convert_element_type3A = arith.extui %eq3A_10 : i1 to i32
    %cond3A = arith.constant 0 : i32
    %cond3A_11 = arith.cmpi ne, %convert_element_type3A, %cond3A : i32
    scf.if %cond3A_11 {
      "tpu.region"() ({
        %run_scoped3A = tpu.sem_alloc : memref<!tpu.dma_semaphore, #tpu.memory_space<semaphore_mem>>
        %dma_start3A = arith.constant 9984 : i32
        %dma_start3A_28 = arith.constant 0 : i32
        %dma_start3A_29 = tpu.memref_slice %arg7[%dma_start3A, %dma_start3A_28] : memref<10016x16xf32, #tpu.memory_space<vmem_shared>> -> memref<16x16xf32, #tpu.memory_space<vmem_shared>>
        %dma_start3A_30 = arith.constant 0 : i32
        %dma_start3A_31 = arith.constant 0 : i32
        %dma_start3A_32 = tpu.memref_slice %arg3[%dma_start3A_30, %dma_start3A_31] : memref<624x16xf32, #tpu.memory_space<hbm>> -> memref<16x16xf32, #tpu.memory_space<hbm>>
        tpu.enqueue_dma source(%dma_start3A_32 : memref<16x16xf32, #tpu.memory_space<hbm>>) target(%dma_start3A_29 : memref<16x16xf32, #tpu.memory_space<vmem_shared>>) target_semaphore(%run_scoped3A : memref<!tpu.dma_semaphore, #tpu.memory_space<semaphore_mem>>)
        %dma_wait3A = arith.constant 9984 : i32
        %dma_wait3A_33 = arith.constant 0 : i32
        %dma_wait3A_34 = tpu.memref_slice %arg7[%dma_wait3A, %dma_wait3A_33] : memref<10016x16xf32, #tpu.memory_space<vmem_shared>> -> memref<16x16xf32, #tpu.memory_space<vmem_shared>>
        %dma_wait3A_35 = arith.constant 0 : i32
        %dma_wait3A_36 = arith.constant 0 : i32
        %dma_wait3A_37 = tpu.memref_slice %arg3[%dma_wait3A_35, %dma_wait3A_36] : memref<624x16xf32, #tpu.memory_space<hbm>> -> memref<16x16xf32, #tpu.memory_space<hbm>>
        tpu.wait_dma2 semaphore(%run_scoped3A : memref<!tpu.dma_semaphore, #tpu.memory_space<semaphore_mem>>) src(%dma_wait3A_37 : memref<16x16xf32, #tpu.memory_space<hbm>>) dst(%dma_wait3A_34 : memref<16x16xf32, #tpu.memory_space<vmem_shared>>)
        tpu.yield
      }) : () -> ()
    } else {
    }
    %barrier3A = arith.constant 0 : index
    tpu.barrier barrier_id(%barrier3A)
    %scan3A_12 = arith.constant 0 : i32
    %scan3A_13 = arith.constant 0 : i32
    %scan3A_14 = arith.constant 160 : i32
    %scan3A_15 = arith.addi %scan3A_13, %scan3A_14 : i32
    %scan3A_16 = arith.constant 1 : i32
    scf.for %scan3A_28 = %scan3A_13 to %scan3A_15 step %scan3A_16  : i32 {
      "tpu.region"() ({
        %run_scoped3A = tpu.sem_alloc : memref<!tpu.dma_semaphore, #tpu.memory_space<semaphore_mem>>
        %dma_start3A = arith.constant 0 : i32
        %dma_start3A_29 = tpu.memref_slice %arg6[%scan3A_28, %dma_start3A] : memref<160x128xi32, #tpu.memory_space<vmem>> -> memref<1x128xi32, #tpu.memory_space<vmem>>
        %dma_start3A_30 = tpu.memref_squeeze %dma_start3A_29 : memref<1x128xi32, #tpu.memory_space<vmem>> -> memref<128xi32, #tpu.memory_space<vmem>>
        %dma_start3A_31 = arith.constant 0 : i32
        %dma_start3A_32 = arith.constant 0 : i32
        %dma_start3A_33 = tpu.memref_slice %arg7[%dma_start3A_31, %dma_start3A_32] : memref<10016x16xf32, #tpu.memory_space<vmem_shared>> -> memref<10016x16xf32, #tpu.memory_space<vmem_shared>>
        tpu.enqueue_indirect_dma source(%arg5 : memref<128x16xf32, #tpu.memory_space<vmem>>) target(%dma_start3A_33 : memref<10016x16xf32, #tpu.memory_space<vmem_shared>>) offsets(%dma_start3A_30 : memref<128xi32, #tpu.memory_space<vmem>>) semaphore(%run_scoped3A : memref<!tpu.dma_semaphore, #tpu.memory_space<semaphore_mem>>) {add = true}
        %dma_wait3A = arith.constant 0 : i32
        %dma_wait3A_34 = tpu.memref_slice %arg6[%scan3A_28, %dma_wait3A] : memref<160x128xi32, #tpu.memory_space<vmem>> -> memref<1x128xi32, #tpu.memory_space<vmem>>
        %dma_wait3A_35 = tpu.memref_squeeze %dma_wait3A_34 : memref<1x128xi32, #tpu.memory_space<vmem>> -> memref<128xi32, #tpu.memory_space<vmem>>
        %dma_wait3A_36 = arith.constant 0 : i32
        %dma_wait3A_37 = arith.constant 0 : i32
        %dma_wait3A_38 = tpu.memref_slice %arg7[%dma_wait3A_36, %dma_wait3A_37] : memref<10016x16xf32, #tpu.memory_space<vmem_shared>> -> memref<10016x16xf32, #tpu.memory_space<vmem_shared>>
        tpu.wait_indirect_dma semaphore(%run_scoped3A : memref<!tpu.dma_semaphore, #tpu.memory_space<semaphore_mem>>) src(%arg5 : memref<128x16xf32, #tpu.memory_space<vmem>>) dst(%dma_wait3A_38 : memref<10016x16xf32, #tpu.memory_space<vmem_shared>>)
        tpu.yield
      }) : () -> ()
    }
    %scan3A_17 = arith.constant 160 : i32
    %barrier3A_18 = arith.constant 0 : index
    tpu.barrier barrier_id(%barrier3A_18)
    %mul3A_19 = arith.constant 624 : i32
    %mul3A_20 = arith.muli %arg1, %mul3A_19 : i32
    %mul3A_21 = arith.constant 624 : i32
    %mul3A_22 = arith.muli %arg1, %mul3A_21 : i32
    "tpu.region"() ({
      %run_scoped3A = tpu.sem_alloc : memref<!tpu.dma_semaphore, #tpu.memory_space<semaphore_mem>>
      %dma_start3A = arith.constant 0 : i32
      %dma_start3A_28 = tpu.memref_slice %arg4[%arg0, %mul3A_22, %dma_start3A] : memref<2x10000x16xf32, #tpu.memory_space<hbm>> -> memref<1x624x16xf32, #tpu.memory_space<hbm>>
      %dma_start3A_29 = tpu.memref_squeeze %dma_start3A_28 : memref<1x624x16xf32, #tpu.memory_space<hbm>> -> memref<624x16xf32, #tpu.memory_space<hbm>>
      %dma_start3A_30 = arith.constant 0 : i32
      %dma_start3A_31 = tpu.memref_slice %arg7[%mul3A_20, %dma_start3A_30] : memref<10016x16xf32, #tpu.memory_space<vmem_shared>> -> memref<624x16xf32, #tpu.memory_space<vmem_shared>>
      tpu.enqueue_dma source(%dma_start3A_31 : memref<624x16xf32, #tpu.memory_space<vmem_shared>>) target(%dma_start3A_29 : memref<624x16xf32, #tpu.memory_space<hbm>>) target_semaphore(%run_scoped3A : memref<!tpu.dma_semaphore, #tpu.memory_space<semaphore_mem>>)
      %dma_wait3A = arith.constant 0 : i32
      %dma_wait3A_32 = tpu.memref_slice %arg4[%arg0, %mul3A_22, %dma_wait3A] : memref<2x10000x16xf32, #tpu.memory_space<hbm>> -> memref<1x624x16xf32, #tpu.memory_space<hbm>>
      %dma_wait3A_33 = tpu.memref_squeeze %dma_wait3A_32 : memref<1x624x16xf32, #tpu.memory_space<hbm>> -> memref<624x16xf32, #tpu.memory_space<hbm>>
      %dma_wait3A_34 = arith.constant 0 : i32
      %dma_wait3A_35 = tpu.memref_slice %arg7[%mul3A_20, %dma_wait3A_34] : memref<10016x16xf32, #tpu.memory_space<vmem_shared>> -> memref<624x16xf32, #tpu.memory_space<vmem_shared>>
      tpu.wait_dma2 semaphore(%run_scoped3A : memref<!tpu.dma_semaphore, #tpu.memory_space<semaphore_mem>>) src(%dma_wait3A_35 : memref<624x16xf32, #tpu.memory_space<vmem_shared>>) dst(%dma_wait3A_33 : memref<624x16xf32, #tpu.memory_space<hbm>>)
      tpu.yield
    }) : () -> ()
    %eq3A_23 = arith.constant 0 : i32
    %eq3A_24 = arith.cmpi eq, %arg1, %eq3A_23 : i32
    %convert_element_type3A_25 = arith.extui %eq3A_24 : i1 to i32
    %cond3A_26 = arith.constant 0 : i32
    %cond3A_27 = arith.cmpi ne, %convert_element_type3A_25, %cond3A_26 : i32
    scf.if %cond3A_27 {
      "tpu.region"() ({
        %run_scoped3A = tpu.sem_alloc : memref<!tpu.dma_semaphore, #tpu.memory_space<semaphore_mem>>
        %dma_start3A = arith.constant 9984 : i32
        %dma_start3A_28 = arith.constant 0 : i32
        %dma_start3A_29 = tpu.memref_slice %arg4[%arg0, %dma_start3A, %dma_start3A_28] : memref<2x10000x16xf32, #tpu.memory_space<hbm>> -> memref<1x16x16xf32, #tpu.memory_space<hbm>>
        %dma_start3A_30 = tpu.memref_squeeze %dma_start3A_29 : memref<1x16x16xf32, #tpu.memory_space<hbm>> -> memref<16x16xf32, #tpu.memory_space<hbm>>
        %dma_start3A_31 = arith.constant 9984 : i32
        %dma_start3A_32 = arith.constant 0 : i32
        %dma_start3A_33 = tpu.memref_slice %arg7[%dma_start3A_31, %dma_start3A_32] : memref<10016x16xf32, #tpu.memory_space<vmem_shared>> -> memref<16x16xf32, #tpu.memory_space<vmem_shared>>
        tpu.enqueue_dma source(%dma_start3A_33 : memref<16x16xf32, #tpu.memory_space<vmem_shared>>) target(%dma_start3A_30 : memref<16x16xf32, #tpu.memory_space<hbm>>) target_semaphore(%run_scoped3A : memref<!tpu.dma_semaphore, #tpu.memory_space<semaphore_mem>>)
        %dma_wait3A = arith.constant 9984 : i32
        %dma_wait3A_34 = arith.constant 0 : i32
        %dma_wait3A_35 = tpu.memref_slice %arg4[%arg0, %dma_wait3A, %dma_wait3A_34] : memref<2x10000x16xf32, #tpu.memory_space<hbm>> -> memref<1x16x16xf32, #tpu.memory_space<hbm>>
        %dma_wait3A_36 = tpu.memref_squeeze %dma_wait3A_35 : memref<1x16x16xf32, #tpu.memory_space<hbm>> -> memref<16x16xf32, #tpu.memory_space<hbm>>
        %dma_wait3A_37 = arith.constant 9984 : i32
        %dma_wait3A_38 = arith.constant 0 : i32
        %dma_wait3A_39 = tpu.memref_slice %arg7[%dma_wait3A_37, %dma_wait3A_38] : memref<10016x16xf32, #tpu.memory_space<vmem_shared>> -> memref<16x16xf32, #tpu.memory_space<vmem_shared>>
        tpu.wait_dma2 semaphore(%run_scoped3A : memref<!tpu.dma_semaphore, #tpu.memory_space<semaphore_mem>>) src(%dma_wait3A_39 : memref<16x16xf32, #tpu.memory_space<vmem_shared>>) dst(%dma_wait3A_36 : memref<16x16xf32, #tpu.memory_space<hbm>>)
        tpu.yield
      }) : () -> ()
    } else {
    }
    return
  }
}

module attributes {stable_mosaic.version = 14 : i64} {
  func.func @_front_tc(%arg0: i32, %arg1: memref<1x10000x128xf32, #tpu.memory_space<vmem>>, %arg2: memref<1x10000x16xf32, #tpu.memory_space<vmem>>, %arg3: memref<1x128xf32, #tpu.memory_space<vmem>>, %arg4: memref<1x128xf32, #tpu.memory_space<vmem>>, %arg5: memref<128x256xf32, #tpu.memory_space<vmem>>, %arg6: memref<1x256xf32, #tpu.memory_space<vmem>>, %arg7: memref<256x128xf32, #tpu.memory_space<vmem>>, %arg8: memref<1x128xf32, #tpu.memory_space<vmem>>, %arg9: memref<128x128xf32, #tpu.memory_space<vmem>>, %arg10: memref<10000x128xf32, #tpu.memory_space<vmem>>, %arg11: memref<1x10000x1xf32, #tpu.memory_space<vmem>>) attributes {dimension_semantics = [#tpu.dimension_semantics<arbitrary>], iteration_bounds = array<i64: 2>, scalar_prefetch = 0 : i64, scratch_operands = 0 : i64, tpu.core_type = #tpu.core_type<tc>, window_params = [{transform_indices = @transform_0, window_bounds = array<i64: 1, 10000, 128>}, {transform_indices = @transform_1, window_bounds = array<i64: 1, 10000, 16>}, {pipeline_mode = #tpu.pipeline_mode<synchronous>, transform_indices = @transform_2, window_bounds = array<i64: 1, 128>}, {pipeline_mode = #tpu.pipeline_mode<synchronous>, transform_indices = @transform_3, window_bounds = array<i64: 1, 128>}, {pipeline_mode = #tpu.pipeline_mode<synchronous>, transform_indices = @transform_4, window_bounds = array<i64: 128, 256>}, {pipeline_mode = #tpu.pipeline_mode<synchronous>, transform_indices = @transform_5, window_bounds = array<i64: 1, 256>}, {pipeline_mode = #tpu.pipeline_mode<synchronous>, transform_indices = @transform_6, window_bounds = array<i64: 256, 128>}, {pipeline_mode = #tpu.pipeline_mode<synchronous>, transform_indices = @transform_7, window_bounds = array<i64: 1, 128>}, {pipeline_mode = #tpu.pipeline_mode<synchronous>, transform_indices = @transform_8, window_bounds = array<i64: 128, 128>}, {transform_indices = @transform_9, window_bounds = array<i64: 10000, 128>}, {transform_indices = @transform_10, window_bounds = array<i64: 1, 10000, 1>}]} {
    %get3A = arith.constant 0 : index
    %get3A_0 = arith.constant 0 : index
    %get3A_1 = arith.constant 0 : index
    %get3A_2 = vector.load %arg1[%get3A, %get3A_0, %get3A_1] : memref<1x10000x128xf32, #tpu.memory_space<vmem>>, vector<1x10000x128xf32>
    %get3A_3 = vector.shape_cast %get3A_2 : vector<1x10000x128xf32> to vector<10000x128xf32>
    %reduce_sum3A = arith.constant dense<0.000000e+00> : vector<128xf32>
    %reduce_sum3A_4 = vector.multi_reduction <add>, %get3A_3, %reduce_sum3A [0] : vector<10000x128xf32> to vector<128xf32>
    %broadcast_in_dim3A = vector.shape_cast %reduce_sum3A_4 : vector<128xf32> to vector<1x128xf32>
    %div3A = arith.constant 1.000000e+04 : f32
    %div3A_5 = vector.broadcast %div3A : f32 to vector<1x128xf32>
    %div3A_6 = arith.divf %broadcast_in_dim3A, %div3A_5 : vector<1x128xf32>
    %sub3A = vector.broadcast %div3A_6 : vector<1x128xf32> to vector<10000x128xf32>
    %sub3A_7 = arith.subf %get3A_3, %sub3A : vector<10000x128xf32>
    %mul3A = arith.mulf %sub3A_7, %sub3A_7 : vector<10000x128xf32>
    %reduce_sum3A_8 = arith.constant dense<0.000000e+00> : vector<128xf32>
    %reduce_sum3A_9 = vector.multi_reduction <add>, %mul3A, %reduce_sum3A_8 [0] : vector<10000x128xf32> to vector<128xf32>
    %broadcast_in_dim3A_10 = vector.shape_cast %reduce_sum3A_9 : vector<128xf32> to vector<1x128xf32>
    %div3A_11 = arith.constant 1.000000e+04 : f32
    %div3A_12 = vector.broadcast %div3A_11 : f32 to vector<1x128xf32>
    %div3A_13 = arith.divf %broadcast_in_dim3A_10, %div3A_12 : vector<1x128xf32>
    %add3A = arith.constant 9.99999974E-6 : f32
    %add3A_14 = vector.broadcast %add3A : f32 to vector<1x128xf32>
    %add3A_15 = arith.addf %div3A_13, %add3A_14 : vector<1x128xf32>
    %sqrt3A = math.sqrt %add3A_15 : vector<1x128xf32>
    %div3A_16 = vector.broadcast %sqrt3A : vector<1x128xf32> to vector<10000x128xf32>
    %div3A_17 = arith.divf %sub3A_7, %div3A_16 : vector<10000x128xf32>
    %get3A_18 = arith.constant 0 : index
    %get3A_19 = arith.constant 0 : index
    %get3A_20 = vector.load %arg3[%get3A_18, %get3A_19] : memref<1x128xf32, #tpu.memory_space<vmem>>, vector<1x128xf32>
    %mul3A_21 = vector.broadcast %get3A_20 : vector<1x128xf32> to vector<10000x128xf32>
    %mul3A_22 = arith.mulf %div3A_17, %mul3A_21 : vector<10000x128xf32>
    %get3A_23 = arith.constant 0 : index
    %get3A_24 = arith.constant 0 : index
    %get3A_25 = vector.load %arg4[%get3A_23, %get3A_24] : memref<1x128xf32, #tpu.memory_space<vmem>>, vector<1x128xf32>
    %add3A_26 = vector.broadcast %get3A_25 : vector<1x128xf32> to vector<10000x128xf32>
    %add3A_27 = arith.addf %mul3A_22, %add3A_26 : vector<10000x128xf32>
    %get3A_28 = arith.constant 0 : index
    %get3A_29 = arith.constant 0 : index
    %get3A_30 = vector.load %arg5[%get3A_28, %get3A_29] : memref<128x256xf32, #tpu.memory_space<vmem>>, vector<128x256xf32>
    %dot_general3A = arith.constant dense<0.000000e+00> : vector<10000x256xf32>
    %dot_general3A_31 = tpu.matmul %add3A_27, %get3A_30, %dot_general3A {dimension_numbers = #tpu.dot_dimension_numbers<[1], [0], [0], [1], [0, 0, 1, 1], [], []>, transpose_lhs_hint = false} : vector<10000x128xf32>, vector<128x256xf32>, vector<10000x256xf32> -> vector<10000x256xf32>
    %get3A_32 = arith.constant 0 : index
    %get3A_33 = arith.constant 0 : index
    %get3A_34 = vector.load %arg6[%get3A_32, %get3A_33] : memref<1x256xf32, #tpu.memory_space<vmem>>, vector<1x256xf32>
    %add3A_35 = vector.broadcast %get3A_34 : vector<1x256xf32> to vector<10000x256xf32>
    %add3A_36 = arith.addf %dot_general3A_31, %add3A_35 : vector<10000x256xf32>
    %max3A = arith.constant 0.000000e+00 : f32
    %max3A_37 = vector.broadcast %max3A : f32 to vector<10000x256xf32>
    %max3A_38 = arith.maximumf %add3A_36, %max3A_37 : vector<10000x256xf32>
    %get3A_39 = arith.constant 0 : index
    %get3A_40 = arith.constant 0 : index
    %get3A_41 = vector.load %arg7[%get3A_39, %get3A_40] : memref<256x128xf32, #tpu.memory_space<vmem>>, vector<256x128xf32>
    %dot_general3A_42 = arith.constant dense<0.000000e+00> : vector<10000x128xf32>
    %dot_general3A_43 = tpu.matmul %max3A_38, %get3A_41, %dot_general3A_42 {dimension_numbers = #tpu.dot_dimension_numbers<[1], [0], [0], [1], [0, 0, 1, 1], [], []>, transpose_lhs_hint = false} : vector<10000x256xf32>, vector<256x128xf32>, vector<10000x128xf32> -> vector<10000x128xf32>
    %get3A_44 = arith.constant 0 : index
    %get3A_45 = arith.constant 0 : index
    %get3A_46 = vector.load %arg8[%get3A_44, %get3A_45] : memref<1x128xf32, #tpu.memory_space<vmem>>, vector<1x128xf32>
    %add3A_47 = vector.broadcast %get3A_46 : vector<1x128xf32> to vector<10000x128xf32>
    %add3A_48 = arith.addf %dot_general3A_43, %add3A_47 : vector<10000x128xf32>
    %max3A_49 = arith.constant 0.000000e+00 : f32
    %max3A_50 = vector.broadcast %max3A_49 : f32 to vector<10000x128xf32>
    %max3A_51 = arith.maximumf %add3A_48, %max3A_50 : vector<10000x128xf32>
    %get3A_52 = arith.constant 0 : index
    %get3A_53 = arith.constant 0 : index
    %get3A_54 = arith.constant 0 : index
    %get3A_55 = vector.load %arg2[%get3A_52, %get3A_53, %get3A_54] : memref<1x10000x16xf32, #tpu.memory_space<vmem>>, vector<1x10000x1xf32>
    %get3A_56 = vector.shape_cast %get3A_55 : vector<1x10000x1xf32> to vector<10000x1xf32>
    %add3A_57 = arith.constant 1.000000e+00 : f32
    %add3A_58 = vector.broadcast %add3A_57 : f32 to vector<10000x1xf32>
    %add3A_59 = arith.addf %get3A_56, %add3A_58 : vector<10000x1xf32>
    %sqrt3A_60 = math.sqrt %add3A_59 : vector<10000x1xf32>
    %div3A_61 = arith.constant 1.000000e+00 : f32
    %div3A_62 = vector.broadcast %div3A_61 : f32 to vector<10000x1xf32>
    %div3A_63 = arith.divf %div3A_62, %sqrt3A_60 : vector<10000x1xf32>
    %swap3A = arith.constant 0 : index
    %swap3A_64 = arith.constant 0 : index
    %swap3A_65 = arith.constant 0 : index
    %swap3A_66 = vector.load %arg11[%swap3A, %swap3A_64, %swap3A_65] : memref<1x10000x1xf32, #tpu.memory_space<vmem>>, vector<1x10000x1xf32>
    %swap3A_67 = vector.shape_cast %swap3A_66 : vector<1x10000x1xf32> to vector<10000x1xf32>
    %swap3A_68 = vector.shape_cast %div3A_63 : vector<10000x1xf32> to vector<1x10000x1xf32>
    tpu.vector_store %arg11[%swap3A, %swap3A_64, %swap3A_65], %swap3A_68 {strides = array<i32>} : memref<1x10000x1xf32, #tpu.memory_space<vmem>>, vector<1x10000x1xf32>,
    %get3A_69 = arith.constant 0 : index
    %get3A_70 = arith.constant 0 : index
    %get3A_71 = vector.load %arg9[%get3A_69, %get3A_70] : memref<128x128xf32, #tpu.memory_space<vmem>>, vector<128x128xf32>
    %dot_general3A_72 = arith.constant dense<0.000000e+00> : vector<10000x128xf32>
    %dot_general3A_73 = tpu.matmul %max3A_51, %get3A_71, %dot_general3A_72 {dimension_numbers = #tpu.dot_dimension_numbers<[1], [0], [0], [1], [0, 0, 1, 1], [], []>, transpose_lhs_hint = false} : vector<10000x128xf32>, vector<128x128xf32>, vector<10000x128xf32> -> vector<10000x128xf32>
    %mul3A_74 = vector.broadcast %div3A_63 : vector<10000x1xf32> to vector<10000x128xf32>
    %mul3A_75 = arith.mulf %dot_general3A_73, %mul3A_74 : vector<10000x128xf32>
    %swap3A_76 = arith.constant 0 : index
    %swap3A_77 = arith.constant 0 : index
    %swap3A_78 = vector.load %arg10[%swap3A_76, %swap3A_77] : memref<10000x128xf32, #tpu.memory_space<vmem>>, vector<10000x128xf32>
    tpu.vector_store %arg10[%swap3A_76, %swap3A_77], %mul3A_75 {strides = array<i32>} : memref<10000x128xf32, #tpu.memory_space<vmem>>, vector<10000x128xf32>,
    return
  }
  func.func @transform_0(%arg0: i32) -> (i32, i32, i32) {
    %c0_i32 = arith.constant 0 : i32
    %c0_i32_0 = arith.constant 0 : i32
    %c0_i32_1 = arith.constant 0 : i32
    return %arg0, %c0_i32, %c0_i32_0 : i32, i32, i32
  }
  func.func @transform_1(%arg0: i32) -> (i32, i32, i32) {
    %c0_i32 = arith.constant 0 : i32
    %c0_i32_0 = arith.constant 0 : i32
    %c0_i32_1 = arith.constant 0 : i32
    return %arg0, %c0_i32, %c0_i32_0 : i32, i32, i32
  }
  func.func @transform_2(%arg0: i32) -> (i32, i32) {
    %c0_i32 = arith.constant 0 : i32
    %c0_i32_0 = arith.constant 0 : i32
    %c0_i32_1 = arith.constant 0 : i32
    return %c0_i32, %c0_i32_0 : i32, i32
  }
  func.func @transform_3(%arg0: i32) -> (i32, i32) {
    %c0_i32 = arith.constant 0 : i32
    %c0_i32_0 = arith.constant 0 : i32
    %c0_i32_1 = arith.constant 0 : i32
    return %c0_i32, %c0_i32_0 : i32, i32
  }
  func.func @transform_4(%arg0: i32) -> (i32, i32) {
    %c0_i32 = arith.constant 0 : i32
    %c0_i32_0 = arith.constant 0 : i32
    %c0_i32_1 = arith.constant 0 : i32
    return %c0_i32, %c0_i32_0 : i32, i32
  }
  func.func @transform_5(%arg0: i32) -> (i32, i32) {
    %c0_i32 = arith.constant 0 : i32
    %c0_i32_0 = arith.constant 0 : i32
    %c0_i32_1 = arith.constant 0 : i32
    return %c0_i32, %c0_i32_0 : i32, i32
  }
  func.func @transform_6(%arg0: i32) -> (i32, i32) {
    %c0_i32 = arith.constant 0 : i32
    %c0_i32_0 = arith.constant 0 : i32
    %c0_i32_1 = arith.constant 0 : i32
    return %c0_i32, %c0_i32_0 : i32, i32
  }
  func.func @transform_7(%arg0: i32) -> (i32, i32) {
    %c0_i32 = arith.constant 0 : i32
    %c0_i32_0 = arith.constant 0 : i32
    %c0_i32_1 = arith.constant 0 : i32
    return %c0_i32, %c0_i32_0 : i32, i32
  }
  func.func @transform_8(%arg0: i32) -> (i32, i32) {
    %c0_i32 = arith.constant 0 : i32
    %c0_i32_0 = arith.constant 0 : i32
    %c0_i32_1 = arith.constant 0 : i32
    return %c0_i32, %c0_i32_0 : i32, i32
  }
  func.func @transform_9(%arg0: i32) -> (i32, i32) {
    %c0_i32 = arith.constant 0 : i32
    %c0_i32_0 = arith.constant 0 : i32
    return %arg0, %c0_i32 : i32, i32
  }
  func.func @transform_10(%arg0: i32) -> (i32, i32, i32) {
    %c0_i32 = arith.constant 0 : i32
    %c0_i32_0 = arith.constant 0 : i32
    %c0_i32_1 = arith.constant 0 : i32
    return %arg0, %c0_i32, %c0_i32_0 : i32, i32, i32
  }
}

module attributes {stable_mosaic.version = 14 : i64} {
  func.func @_epi_tc(%arg0: i32, %arg1: memref<1x10000x128xf32, #tpu.memory_space<vmem>>, %arg2: memref<10000x128xf32, #tpu.memory_space<vmem>>, %arg3: memref<1x10000x1xf32, #tpu.memory_space<vmem>>, %arg4: memref<1x128xf32, #tpu.memory_space<vmem>>, %arg5: memref<128x128xf32, #tpu.memory_space<vmem>>, %arg6: memref<10000x128xf32, #tpu.memory_space<vmem>>) attributes {dimension_semantics = [#tpu.dimension_semantics<arbitrary>], iteration_bounds = array<i64: 2>, scalar_prefetch = 0 : i64, scratch_operands = 0 : i64, tpu.core_type = #tpu.core_type<tc>, window_params = [{transform_indices = @transform_0, window_bounds = array<i64: 1, 10000, 128>}, {transform_indices = @transform_1, window_bounds = array<i64: 10000, 128>}, {transform_indices = @transform_2, window_bounds = array<i64: 1, 10000, 1>}, {pipeline_mode = #tpu.pipeline_mode<synchronous>, transform_indices = @transform_3, window_bounds = array<i64: 1, 128>}, {pipeline_mode = #tpu.pipeline_mode<synchronous>, transform_indices = @transform_4, window_bounds = array<i64: 128, 128>}, {transform_indices = @transform_5, window_bounds = array<i64: 10000, 128>}]} {
    %get3A = arith.constant 0 : index
    %get3A_0 = arith.constant 0 : index
    %get3A_1 = arith.constant 0 : index
    %get3A_2 = vector.load %arg3[%get3A, %get3A_0, %get3A_1] : memref<1x10000x1xf32, #tpu.memory_space<vmem>>, vector<1x10000x1xf32>
    %get3A_3 = vector.shape_cast %get3A_2 : vector<1x10000x1xf32> to vector<10000x1xf32>
    %get3A_4 = arith.constant 0 : index
    %get3A_5 = arith.constant 0 : index
    %get3A_6 = arith.constant 0 : index
    %get3A_7 = vector.load %arg1[%get3A_4, %get3A_5, %get3A_6] : memref<1x10000x128xf32, #tpu.memory_space<vmem>>, vector<1x10000x128xf32>
    %get3A_8 = vector.shape_cast %get3A_7 : vector<1x10000x128xf32> to vector<10000x128xf32>
    %get3A_9 = arith.constant 0 : index
    %get3A_10 = arith.constant 0 : index
    %get3A_11 = vector.load %arg2[%get3A_9, %get3A_10] : memref<10000x128xf32, #tpu.memory_space<vmem>>, vector<10000x128xf32>
    %add3A = arith.addf %get3A_8, %get3A_11 : vector<10000x128xf32>
    %mul3A = vector.broadcast %get3A_3 : vector<10000x1xf32> to vector<10000x128xf32>
    %mul3A_12 = arith.mulf %add3A, %mul3A : vector<10000x128xf32>
    %get3A_13 = arith.constant 0 : index
    %get3A_14 = arith.constant 0 : index
    %get3A_15 = vector.load %arg4[%get3A_13, %get3A_14] : memref<1x128xf32, #tpu.memory_space<vmem>>, vector<1x128xf32>
    %add3A_16 = vector.broadcast %get3A_15 : vector<1x128xf32> to vector<10000x128xf32>
    %add3A_17 = arith.addf %mul3A_12, %add3A_16 : vector<10000x128xf32>
    %max3A = arith.constant 0.000000e+00 : f32
    %max3A_18 = vector.broadcast %max3A : f32 to vector<10000x128xf32>
    %max3A_19 = arith.maximumf %add3A_17, %max3A_18 : vector<10000x128xf32>
    %get3A_20 = arith.constant 0 : index
    %get3A_21 = arith.constant 0 : index
    %get3A_22 = vector.load %arg5[%get3A_20, %get3A_21] : memref<128x128xf32, #tpu.memory_space<vmem>>, vector<128x128xf32>
    %dot_general3A = arith.constant dense<0.000000e+00> : vector<10000x128xf32>
    %dot_general3A_23 = tpu.matmul %max3A_19, %get3A_22, %dot_general3A {dimension_numbers = #tpu.dot_dimension_numbers<[1], [0], [0], [1], [0, 0, 1, 1], [], []>, transpose_lhs_hint = false} : vector<10000x128xf32>, vector<128x128xf32>, vector<10000x128xf32> -> vector<10000x128xf32>
    %mul3A_24 = vector.broadcast %get3A_3 : vector<10000x1xf32> to vector<10000x128xf32>
    %mul3A_25 = arith.mulf %dot_general3A_23, %mul3A_24 : vector<10000x128xf32>
    %swap3A = arith.constant 0 : index
    %swap3A_26 = arith.constant 0 : index
    %swap3A_27 = vector.load %arg6[%swap3A, %swap3A_26] : memref<10000x128xf32, #tpu.memory_space<vmem>>, vector<10000x128xf32>
    tpu.vector_store %arg6[%swap3A, %swap3A_26], %mul3A_25 {strides = array<i32>} : memref<10000x128xf32, #tpu.memory_space<vmem>>, vector<10000x128xf32>,
    return
  }
  func.func @transform_0(%arg0: i32) -> (i32, i32, i32) {
    %c0_i32 = arith.constant 0 : i32
    %c0_i32_0 = arith.constant 0 : i32
    %c0_i32_1 = arith.constant 0 : i32
    return %arg0, %c0_i32, %c0_i32_0 : i32, i32, i32
  }
  func.func @transform_1(%arg0: i32) -> (i32, i32) {
    %c0_i32 = arith.constant 0 : i32
    %c0_i32_0 = arith.constant 0 : i32
    return %arg0, %c0_i32 : i32, i32
  }
  func.func @transform_2(%arg0: i32) -> (i32, i32, i32) {
    %c0_i32 = arith.constant 0 : i32
    %c0_i32_0 = arith.constant 0 : i32
    %c0_i32_1 = arith.constant 0 : i32
    return %arg0, %c0_i32, %c0_i32_0 : i32, i32, i32
  }
  func.func @transform_3(%arg0: i32) -> (i32, i32) {
    %c0_i32 = arith.constant 0 : i32
    %c0_i32_0 = arith.constant 0 : i32
    %c0_i32_1 = arith.constant 0 : i32
    return %c0_i32, %c0_i32_0 : i32, i32
  }
  func.func @transform_4(%arg0: i32) -> (i32, i32) {
    %c0_i32 = arith.constant 0 : i32
    %c0_i32_0 = arith.constant 0 : i32
    %c0_i32_1 = arith.constant 0 : i32
    return %c0_i32, %c0_i32_0 : i32, i32
  }
  func.func @transform_5(%arg0: i32) -> (i32, i32) {
    %c0_i32 = arith.constant 0 : i32
    %c0_i32_0 = arith.constant 0 : i32
    return %arg0, %c0_i32 : i32, i32
  }
}

module attributes {stable_mosaic.version = 14 : i64} {
  func.func @_pool_tc(%arg0: i32, %arg1: memref<1x10000x128xf32, #tpu.memory_space<vmem>>, %arg2: memref<10000x128xf32, #tpu.memory_space<vmem>>, %arg3: memref<1x10000x1xf32, #tpu.memory_space<vmem>>, %arg4: memref<1x128xf32, #tpu.memory_space<vmem>>, %arg5: memref<1x1x10000xi32, #tpu.memory_space<vmem>>, %arg6: memref<1x64x128xf32, #tpu.memory_space<vmem>>) attributes {dimension_semantics = [#tpu.dimension_semantics<arbitrary>], iteration_bounds = array<i64: 2>, scalar_prefetch = 0 : i64, scratch_operands = 0 : i64, tpu.core_type = #tpu.core_type<tc>, window_params = [{transform_indices = @transform_0, window_bounds = array<i64: 1, 10000, 128>}, {transform_indices = @transform_1, window_bounds = array<i64: 10000, 128>}, {transform_indices = @transform_2, window_bounds = array<i64: 1, 10000, 1>}, {pipeline_mode = #tpu.pipeline_mode<synchronous>, transform_indices = @transform_3, window_bounds = array<i64: 1, 128>}, {transform_indices = @transform_4, window_bounds = array<i64: 1, 1, 10000>}, {transform_indices = @transform_5, window_bounds = array<i64: 1, 64, 128>}]} {
    %get3A = arith.constant 0 : index
    %get3A_0 = arith.constant 0 : index
    %get3A_1 = arith.constant 0 : index
    %get3A_2 = vector.load %arg3[%get3A, %get3A_0, %get3A_1] : memref<1x10000x1xf32, #tpu.memory_space<vmem>>, vector<1x10000x1xf32>
    %get3A_3 = vector.shape_cast %get3A_2 : vector<1x10000x1xf32> to vector<10000x1xf32>
    %get3A_4 = arith.constant 0 : index
    %get3A_5 = arith.constant 0 : index
    %get3A_6 = arith.constant 0 : index
    %get3A_7 = vector.load %arg1[%get3A_4, %get3A_5, %get3A_6] : memref<1x10000x128xf32, #tpu.memory_space<vmem>>, vector<1x10000x128xf32>
    %get3A_8 = vector.shape_cast %get3A_7 : vector<1x10000x128xf32> to vector<10000x128xf32>
    %get3A_9 = arith.constant 0 : index
    %get3A_10 = arith.constant 0 : index
    %get3A_11 = vector.load %arg2[%get3A_9, %get3A_10] : memref<10000x128xf32, #tpu.memory_space<vmem>>, vector<10000x128xf32>
    %add3A = arith.addf %get3A_8, %get3A_11 : vector<10000x128xf32>
    %mul3A = vector.broadcast %get3A_3 : vector<10000x1xf32> to vector<10000x128xf32>
    %mul3A_12 = arith.mulf %add3A, %mul3A : vector<10000x128xf32>
    %get3A_13 = arith.constant 0 : index
    %get3A_14 = arith.constant 0 : index
    %get3A_15 = vector.load %arg4[%get3A_13, %get3A_14] : memref<1x128xf32, #tpu.memory_space<vmem>>, vector<1x128xf32>
    %add3A_16 = vector.broadcast %get3A_15 : vector<1x128xf32> to vector<10000x128xf32>
    %add3A_17 = arith.addf %mul3A_12, %add3A_16 : vector<10000x128xf32>
    %max3A = arith.constant 0.000000e+00 : f32
    %max3A_18 = vector.broadcast %max3A : f32 to vector<10000x128xf32>
    %max3A_19 = arith.maximumf %add3A_17, %max3A_18 : vector<10000x128xf32>
    %get3A_20 = arith.constant 0 : index
    %get3A_21 = arith.constant 0 : index
    %get3A_22 = arith.constant 0 : index
    %get3A_23 = vector.load %arg5[%get3A_20, %get3A_21, %get3A_22] : memref<1x1x10000xi32, #tpu.memory_space<vmem>>, vector<1x1x10000xi32>
    %get3A_24 = vector.shape_cast %get3A_23 : vector<1x1x10000xi32> to vector<1x10000xi32>
    %iota3A = tpu.iota {dimensions = array<i32: 0>} : vector<64x10000xi32>
    %eq3A = vector.broadcast %get3A_24 : vector<1x10000xi32> to vector<64x10000xi32>
    %eq3A_25 = arith.cmpi eq, %eq3A, %iota3A : vector<64x10000xi32>
    %convert_element_type3A = arith.extui %eq3A_25 : vector<64x10000xi1> to vector<64x10000xi32>
    %convert_element_type3A_26 = arith.sitofp %convert_element_type3A : vector<64x10000xi32> to vector<64x10000xf32>
    %dot_general3A = arith.constant dense<0.000000e+00> : vector<64x128xf32>
    %dot_general3A_27 = tpu.matmul %convert_element_type3A_26, %max3A_19, %dot_general3A {dimension_numbers = #tpu.dot_dimension_numbers<[1], [0], [0], [1], [0, 0, 1, 1], [], []>, transpose_lhs_hint = false} : vector<64x10000xf32>, vector<10000x128xf32>, vector<64x128xf32> -> vector<64x128xf32>
    %reduce_sum3A = arith.constant dense<0.000000e+00> : vector<64xf32>
    %reduce_sum3A_28 = vector.multi_reduction <add>, %convert_element_type3A_26, %reduce_sum3A [1] : vector<64x10000xf32> to vector<64xf32>
    %broadcast_in_dim3A = vector.shape_cast %reduce_sum3A_28 : vector<64xf32> to vector<64x1xf32>
    %max3A_29 = arith.constant 1.000000e+00 : f32
    %max3A_30 = vector.broadcast %max3A_29 : f32 to vector<64x1xf32>
    %max3A_31 = arith.maximumf %broadcast_in_dim3A, %max3A_30 : vector<64x1xf32>
    %div3A = vector.broadcast %max3A_31 : vector<64x1xf32> to vector<64x128xf32>
    %div3A_32 = arith.divf %dot_general3A_27, %div3A : vector<64x128xf32>
    %swap3A = arith.constant 0 : index
    %swap3A_33 = arith.constant 0 : index
    %swap3A_34 = arith.constant 0 : index
    %swap3A_35 = vector.load %arg6[%swap3A, %swap3A_33, %swap3A_34] : memref<1x64x128xf32, #tpu.memory_space<vmem>>, vector<1x64x128xf32>
    %swap3A_36 = vector.shape_cast %swap3A_35 : vector<1x64x128xf32> to vector<64x128xf32>
    %swap3A_37 = vector.shape_cast %div3A_32 : vector<64x128xf32> to vector<1x64x128xf32>
    tpu.vector_store %arg6[%swap3A, %swap3A_33, %swap3A_34], %swap3A_37 {strides = array<i32>} : memref<1x64x128xf32, #tpu.memory_space<vmem>>, vector<1x64x128xf32>,
    return
  }
  func.func @transform_0(%arg0: i32) -> (i32, i32, i32) {
    %c0_i32 = arith.constant 0 : i32
    %c0_i32_0 = arith.constant 0 : i32
    %c0_i32_1 = arith.constant 0 : i32
    return %arg0, %c0_i32, %c0_i32_0 : i32, i32, i32
  }
  func.func @transform_1(%arg0: i32) -> (i32, i32) {
    %c0_i32 = arith.constant 0 : i32
    %c0_i32_0 = arith.constant 0 : i32
    return %arg0, %c0_i32 : i32, i32
  }
  func.func @transform_2(%arg0: i32) -> (i32, i32, i32) {
    %c0_i32 = arith.constant 0 : i32
    %c0_i32_0 = arith.constant 0 : i32
    %c0_i32_1 = arith.constant 0 : i32
    return %arg0, %c0_i32, %c0_i32_0 : i32, i32, i32
  }
  func.func @transform_3(%arg0: i32) -> (i32, i32) {
    %c0_i32 = arith.constant 0 : i32
    %c0_i32_0 = arith.constant 0 : i32
    %c0_i32_1 = arith.constant 0 : i32
    return %c0_i32, %c0_i32_0 : i32, i32
  }
  func.func @transform_4(%arg0: i32) -> (i32, i32, i32) {
    %c0_i32 = arith.constant 0 : i32
    %c0_i32_0 = arith.constant 0 : i32
    %c0_i32_1 = arith.constant 0 : i32
    return %arg0, %c0_i32, %c0_i32_0 : i32, i32, i32
  }
  func.func @transform_5(%arg0: i32) -> (i32, i32, i32) {
    %c0_i32 = arith.constant 0 : i32
    %c0_i32_0 = arith.constant 0 : i32
    %c0_i32_1 = arith.constant 0 : i32
    return %arg0, %c0_i32, %c0_i32_0 : i32, i32, i32
  }
}

module attributes {stable_mosaic.version = 14 : i64} {
  func.func @_head_tc(%arg0: memref<2x64x128xf32, #tpu.memory_space<vmem>>, %arg1: memref<256x256xf32, #tpu.memory_space<vmem>>, %arg2: memref<1x256xf32, #tpu.memory_space<vmem>>, %arg3: memref<256x128xf32, #tpu.memory_space<vmem>>, %arg4: memref<1x128xf32, #tpu.memory_space<vmem>>, %arg5: memref<128x1xf32, #tpu.memory_space<vmem>>, %arg6: memref<1x1xf32, #tpu.memory_space<vmem>>, %arg7: memref<64x1xf32, #tpu.memory_space<vmem>>) attributes {dimension_semantics = [], scalar_prefetch = 0 : i64, scratch_operands = 0 : i64, tpu.core_type = #tpu.core_type<tc>} {
    %get3A = arith.constant 0 : index
    %get3A_0 = arith.constant 0 : index
    %get3A_1 = arith.constant 0 : index
    %get3A_2 = vector.load %arg0[%get3A, %get3A_0, %get3A_1] : memref<2x64x128xf32, #tpu.memory_space<vmem>>, vector<1x64x128xf32>
    %get3A_3 = vector.shape_cast %get3A_2 : vector<1x64x128xf32> to vector<64x128xf32>
    %get3A_4 = arith.constant 1 : index
    %get3A_5 = arith.constant 0 : index
    %get3A_6 = arith.constant 0 : index
    %get3A_7 = vector.load %arg0[%get3A_4, %get3A_5, %get3A_6] : memref<2x64x128xf32, #tpu.memory_space<vmem>>, vector<1x64x128xf32>
    %get3A_8 = vector.shape_cast %get3A_7 : vector<1x64x128xf32> to vector<64x128xf32>
    %concatenate3A = tpu.concatenate %get3A_3, %get3A_8 in 1 : vector<64x128xf32>, vector<64x128xf32> -> vector<64x256xf32>
    %get3A_9 = arith.constant 0 : index
    %get3A_10 = arith.constant 0 : index
    %get3A_11 = vector.load %arg1[%get3A_9, %get3A_10] : memref<256x256xf32, #tpu.memory_space<vmem>>, vector<256x256xf32>
    %dot_general3A = arith.constant dense<0.000000e+00> : vector<64x256xf32>
    %dot_general3A_12 = tpu.matmul %concatenate3A, %get3A_11, %dot_general3A {dimension_numbers = #tpu.dot_dimension_numbers<[1], [0], [0], [1], [0, 0, 1, 1], [], []>, transpose_lhs_hint = false} : vector<64x256xf32>, vector<256x256xf32>, vector<64x256xf32> -> vector<64x256xf32>
    %get3A_13 = arith.constant 0 : index
    %get3A_14 = arith.constant 0 : index
    %get3A_15 = vector.load %arg2[%get3A_13, %get3A_14] : memref<1x256xf32, #tpu.memory_space<vmem>>, vector<1x256xf32>
    %add3A = vector.broadcast %get3A_15 : vector<1x256xf32> to vector<64x256xf32>
    %add3A_16 = arith.addf %dot_general3A_12, %add3A : vector<64x256xf32>
    %max3A = arith.constant 0.000000e+00 : f32
    %max3A_17 = vector.broadcast %max3A : f32 to vector<64x256xf32>
    %max3A_18 = arith.maximumf %add3A_16, %max3A_17 : vector<64x256xf32>
    %get3A_19 = arith.constant 0 : index
    %get3A_20 = arith.constant 0 : index
    %get3A_21 = vector.load %arg3[%get3A_19, %get3A_20] : memref<256x128xf32, #tpu.memory_space<vmem>>, vector<256x128xf32>
    %dot_general3A_22 = arith.constant dense<0.000000e+00> : vector<64x128xf32>
    %dot_general3A_23 = tpu.matmul %max3A_18, %get3A_21, %dot_general3A_22 {dimension_numbers = #tpu.dot_dimension_numbers<[1], [0], [0], [1], [0, 0, 1, 1], [], []>, transpose_lhs_hint = false} : vector<64x256xf32>, vector<256x128xf32>, vector<64x128xf32> -> vector<64x128xf32>
    %get3A_24 = arith.constant 0 : index
    %get3A_25 = arith.constant 0 : index
    %get3A_26 = vector.load %arg4[%get3A_24, %get3A_25] : memref<1x128xf32, #tpu.memory_space<vmem>>, vector<1x128xf32>
    %add3A_27 = vector.broadcast %get3A_26 : vector<1x128xf32> to vector<64x128xf32>
    %add3A_28 = arith.addf %dot_general3A_23, %add3A_27 : vector<64x128xf32>
    %max3A_29 = arith.constant 0.000000e+00 : f32
    %max3A_30 = vector.broadcast %max3A_29 : f32 to vector<64x128xf32>
    %max3A_31 = arith.maximumf %add3A_28, %max3A_30 : vector<64x128xf32>
    %get3A_32 = arith.constant 0 : index
    %get3A_33 = arith.constant 0 : index
    %get3A_34 = vector.load %arg5[%get3A_32, %get3A_33] : memref<128x1xf32, #tpu.memory_space<vmem>>, vector<128x1xf32>
    %dot_general3A_35 = arith.constant dense<0.000000e+00> : vector<64x1xf32>
    %dot_general3A_36 = tpu.matmul %max3A_31, %get3A_34, %dot_general3A_35 {dimension_numbers = #tpu.dot_dimension_numbers<[1], [0], [0], [1], [0, 0, 1, 1], [], []>, transpose_lhs_hint = false} : vector<64x128xf32>, vector<128x1xf32>, vector<64x1xf32> -> vector<64x1xf32>
    %get3A_37 = arith.constant 0 : index
    %get3A_38 = arith.constant 0 : index
    %get3A_39 = vector.load %arg6[%get3A_37, %get3A_38] : memref<1x1xf32, #tpu.memory_space<vmem>>, vector<1x1xf32>
    %add3A_40 = vector.broadcast %get3A_39 : vector<1x1xf32> to vector<64x1xf32>
    %add3A_41 = arith.addf %dot_general3A_36, %add3A_40 : vector<64x1xf32>
    %swap3A = arith.constant 0 : index
    %swap3A_42 = arith.constant 0 : index
    %swap3A_43 = vector.load %arg7[%swap3A, %swap3A_42] : memref<64x1xf32, #tpu.memory_space<vmem>>, vector<64x1xf32>
    tpu.vector_store %arg7[%swap3A, %swap3A_42], %add3A_41 {strides = array<i32>} : memref<64x1xf32, #tpu.memory_space<vmem>>, vector<64x1xf32>,
    return
  }
}

</mosaic_0001>

<sc_bundles>
// kernel: kernel.11.cloned.1.call-start
scs
__scs_entry_jumppad:
0x0: {  	(pc) =	sbr.rel $0x88, $3  }
0x1: {  	(tag) =	ssettag $0x0;
	lr =	simm.s32 $0x1  }
0x2: {  	[smem:$0x3F89] =	sst lr;
	_ =	strace $0xD0000000  }
0x3: {  	_ = 	snop  }
0x4: {  	_ = 	snop  }
0x5: {  	_ = 	snop  }
0x6: {  	_ = 	snop  }
0x7: {  	_ = 	snop  }
__scs_overlays_trampoline_lowered:
0x8: {  	[smem:$0x3F98] =	sst s0  }
0x9: {  	[smem:$0x3F99] =	sst s1  }
0xa: {  	[smem:$0x3F9A] =	sst s2  }
0xb: {  	[smem:$0x3F9B] =	sst s3  }
0xc: {  	[smem:$0x3F9C] =	sst s4  }
0xd: {  	[smem:$0x3F9D] =	sst s5  }
0xe: {  	[smem:$0x3F9E] =	sst s6  }
0xf: {  	[smem:$0x3F9F] =	sst s7  }
0x10: {  	[smem:$0x3FA0] =	sst s8  }
0x11: {  	[smem:$0x3FA1] =	sst s9;
	s0 =	simm.s32 @!p0 $0x0  }
0x12: {  	s1 =	sld [smem:$0x3F87];
	s0 =	simm.s32 @p0 $0x1  }
0x13: {  	[smem:$0x3FA2] =	sst s0;
	s0 =	simm.s32 @!p1 $0x0  }
0x14: {  	s2 =	sld [smem:$0x3F86];
	s0 =	simm.s32 @p1 $0x1  }
0x15: {  	[smem:$0x3FA3] =	sst s0;
	s0 =	simm.s32 @!p2 $0x0  }
0x16: {  	s3 =	sld [smem:$0x3FDB];
	s0 =	simm.s32 @p2 $0x1  }
0x17: {  	s4 =	simm.s32 $0x1BF5;
	[smem:$0x3FA5] =	sst s0  }
0x18: {  	s0 =	sld [smem:$0x3F88];
	_ =	swait.ge [sflag:s4], $0x0  }
0x19: {  	s7 =	sld [smem:$0x3F89]  }
0x1a: {  	s8 =	sadd.s32 $0xFFFFE003, lr  }
0x1b: {  	s9 =	sadd.s32 $0xFFFFFEF7, lr;
	s5 =	simm.s32 $0xFFFFFFFF;
	p2 =	slt.u32 s8, $0xFFFFF086  }
0x1c: {  	p1 =	slt.u32 s9, $0xF7A;
	s5 =	simm.s32 @!p2 $0x0  }
0x1d: {  	s5 =	simm.s32 @p1 $0x1;
	p0 =	seq.s32 s7, s2  }
0x1e: {  	s7 =	smul.u32 @!p0 $0xF7A, s2;
	p2 =	seq.s32 @!p0 s5, $0x0  }
0x1f: {  	s9 =	smul.u32 $0xF7A, s1;
	s8 =	simm.s32 @!p0 $0x1BF5;
	p2 =	por !p2, p0  }
0x20: {  	[sflag:s8] =	ssyncset.s32 @!p0 $0xFFFFF086;
	s6 =	sadd.s32 @!p0 s3, s7;
	s7 =	simm.s32 @!p0 $0x108  }
0x21: {  	s3 =	sadd.s32 s3, s9;
	s6 =	sadd.s32 @!p0 $0x88, s6;
	s7 =	simm.s32 @p2 $0x1082  }
0x22: {  	[simem:s7], [sflag:s8] =	dma.local @!p0 [hbm:s6], $0xF7A  }
0x23: {  	s9 =	sor.u32 $0xD0000000, s2;
	s6 =	simm.s32 $0x108;
	_ =	swait.ge @!p0 [sflag:s8], $0x0  }
0x24: {  	s3 =	sadd.s32 $0x88, s3;
	s6 =	simm.s32 @!p1 $0x1082;
	[sflag:s4] =	ssyncset.s32 $0xFFFFF086  }
0x25: {  	[simem:s6], [sflag:s4] =	dma.local [hbm:s3], $0xF7A  }
0x26: {  	[smem:$0x3F89] =	sst s1;
	(tag) =	ssettag s2;
	_ =	strace s9  }
0x27: {  	s1 =	sld [smem:$0x3F99]  }
0x28: {  	s2 =	sld [smem:$0x3F9A]  }
0x29: {  	s4 =	sld [smem:$0x3F9C]  }
0x2a: {  	p0 =	seq.s32 s5, $0x0;
	s5 =	sld [smem:$0x3F9D]  }
0x2b: {  	s6 =	sld [smem:$0x3F9E]  }
0x2c: {  	s7 =	sld [smem:$0x3F9F]  }
0x2d: {  	s3 =	simm.s32 $0x108;
	s8 =	sld [smem:$0x3FA0]  }
0x2e: {  	s3 =	simm.s32 @!p0 $0x1082;
	s9 =	sld [smem:$0x3FA1]  }
0x2f: {  	lr =	sadd.s32 s0, s3;
	s0 =	sld [smem:$0x3F98]  }
0x30: {  	s3 =	sld [smem:$0x3F9B]  }
0x31: {  	[smem:$0x3FA4] =	sst s10  }
0x32: {  	s10 =	sld [smem:$0x3FA2];
	_ =	sdelay $0x3  }
0x33: {  	p0 =	seq.s32 s10, $0x1;
	s10 =	sld [smem:$0x3FA4];
	_ =	sdelay $0x3  }
0x34: {  	[smem:$0x3FA4] =	sst s10  }
0x35: {  	s10 =	sld [smem:$0x3FA3];
	_ =	sdelay $0x3  }
0x36: {  	p1 =	seq.s32 s10, $0x1;
	s10 =	sld [smem:$0x3FA4];
	_ =	sdelay $0x3  }
0x37: {  	[smem:$0x3FA4] =	sst s10  }
0x38: {  	s10 =	sld [smem:$0x3FA5]  }
0x39: {  	_ = 	snop;
	(pc) =	sbr.ind lr, $3  }
0x3a: {  	_ = 	snop  }
0x3b: {  	_ = 	snop  }
0x3c: {  	p2 =	seq.s32 s10, $0x1;
	s10 =	sld [smem:$0x3FA4]  }
0x3d: {  	_ =	shalt  }
0x3e: {  	_ =	shalt  }
0x3f: {  	_ =	shalt  }
0x40: {  	_ =	shalt  }
0x41: {  	_ =	shalt  }
0x42: {  	_ =	shalt  }
0x43: {  	_ =	shalt  }
0x44: {  	_ =	shalt  }
0x45: {  	_ =	shalt  }
0x46: {  	_ =	shalt  }
0x47: {  	_ =	shalt  }
0x48: {  	_ =	shalt  }
0x49: {  	_ =	shalt  }
0x4a: {  	_ =	shalt  }
0x4b: {  	_ =	shalt  }
0x4c: {  	_ =	shalt  }
0x4d: {  	_ =	shalt  }
0x4e: {  	_ =	shalt  }
0x4f: {  	_ =	shalt  }
0x50: {  	_ =	shalt  }
0x51: {  	_ =	shalt  }
0x52: {  	_ =	shalt  }
0x53: {  	_ =	shalt  }
0x54: {  	_ =	shalt  }
0x55: {  	_ =	shalt  }
0x56: {  	_ =	shalt  }
0x57: {  	_ =	shalt  }
0x58: {  	_ =	shalt  }
0x59: {  	_ =	shalt  }
0x5a: {  	_ =	shalt  }
0x5b: {  	_ =	shalt  }
0x5c: {  	_ =	shalt  }
0x5d: {  	_ =	shalt  }
0x5e: {  	_ =	shalt  }
0x5f: {  	_ =	shalt  }
0x60: {  	_ =	shalt  }
0x61: {  	_ =	shalt  }
0x62: {  	_ =	shalt  }
0x63: {  	_ =	shalt  }
0x64: {  	_ =	shalt  }
0x65: {  	_ =	shalt  }
0x66: {  	_ =	shalt  }
0x67: {  	_ =	shalt  }
0x68: {  	_ =	shalt  }
0x69: {  	_ =	shalt  }
0x6a: {  	_ =	shalt  }
0x6b: {  	_ =	shalt  }
0x6c: {  	_ =	shalt  }
0x6d: {  	_ =	shalt  }
0x6e: {  	_ =	shalt  }
0x6f: {  	_ =	shalt  }
0x70: {  	_ =	shalt  }
0x71: {  	_ =	shalt  }
0x72: {  	_ =	shalt  }
0x73: {  	_ =	shalt  }
0x74: {  	_ =	shalt  }
0x75: {  	_ =	shalt  }
0x76: {  	_ =	shalt  }
0x77: {  	_ =	shalt  }
0x78: {  	_ =	shalt  }
0x79: {  	_ =	shalt  }
0x7a: {  	_ =	shalt  }
0x7b: {  	_ =	shalt  }
0x7c: {  	_ =	shalt  }
0x7d: {  	_ =	shalt  }
0x7e: {  	_ =	shalt  }
0x7f: {  	_ =	shalt  }
0x80: {  	_ =	shalt  }
0x81: {  	_ =	shalt  }
0x82: {  	_ =	shalt  }
0x83: {  	_ =	shalt  }
0x84: {  	_ =	shalt  }
0x85: {  	_ =	shalt  }
0x86: {  	_ =	shalt  }
0x87: {  	_ =	shalt  }
.Lfunc_end0:
.L_simem_size_0:
called_computation_lowered:
.L_overlay_start_0:
0x88: {  	s2 =	sld [smem:$0x3FD9]  }
0x89: {  	s3 =	sld [smem:$0x3FFE];
	_ =	sdelay $0x1  }
0x8a: {  	s1 =	srdreg.scid  }
0x8b: {  	s0 =	sand.u32 $0x1, s1  }
0x8c: {  	s16 =	sshll.u32 s0, $0xA;
	s2 =	sadd.s32 s3, s2  }
0x8d: {  	s2 =	sadd.s32 s2, s16  }
0x8e: {  	[smem:$0x3FB0] =	sst s2  }
0x8f: {  	_ = 	snop  }
0x90: {  	(tm) =	ssettm $0x1  }
0x91: {  	s17 =	sld [smem:$0x3FFB];
	_ =	sdelay $0x3  }
0x92: {  	_ =	strace s17  }
0x93: {  	s2 =	sld [smem:$0x3FFC];
	_ =	sdelay $0x3  }
0x94: {  	_ =	strace s2  }
0x95: {  	s2 =	sld [smem:$0x3FFD];
	_ =	sdelay $0x3  }
0x96: {  	_ =	strace s2  }
0x97: {  	_ =	strace $0x8FFFFFFF  }
0x98: {  	s18 =	sld [smem:$0x3FDB];
	_ =	sdelay $0x1  }
0x99: {  	s19 =	simm.s32 $_scs_section_size  }
0x9a: {  	s4 =	simm.s32 $_size__tile_overlayer_lowered;
	s5 =	simm.s32 $_tile_overlayer_lowered  }
0x9b: {  	s22 =	simm.s32 $0x1BFF;
	s21 =	sshll.u32 s5, $0x1;
	s2 =	sadd.s32 s19, s18  }
0x9c: {  	s6 =	simm.s32 $0x0;
	s20 =	sshll.u32 s4, $0x1;
	s4 =	sadd.s32 s21, s2  }
0x9d: {  	[timem:s6], [sflag:s22] =	dma.local [hbm:s4], s20  }
0x9e: {  	_ =	swait.ge [sflag:s22], s20  }
0x9f: {  	s3 =	ssub.s32 $0x0, s20;
	[sflag:s22] =	ssyncset.done $0x0  }
0xa0: {  	[sflag:s22] =	ssyncadd.s32 s3;
	_ =	sdelay $0x1  }
0xa1: {  	s23 =	simm.s32 $0x1B8B  }
0xa2: {  	_ =	swait.ge [sflag:s23], $0x1  }
0xa3: {  	[sflag:s23] =	ssyncset.done $0x0  }
0xa4: {  	s25 =	simm.s32 $0x1B8E;
	s24 =	sld [smem:$0x3FFE];
	[sflag:s23] =	ssyncadd.s32 $0xFFFFFFFF  }
0xa5: {  	s26 =	simm.s32 $execute0_lowered;
	[smem:$0x3FD2] =	sst s25  }
0xa6: {  	s4 =	sshll.u32 s26, $0x1;
	_ =	strace $0x80000046;
	[dreg:$0x1] =	wrdreg $0xFFFFFFFF  }
0xa7: {  	s28 =	simm.s32 $_size_execute0_lowered;
	s2 =	sadd.s32 s2, s4;
	[dreg:$0x0] =	wrdreg $0x0  }
0xa8: {  	s4 =	sshll.u32 s28, $0x1;
	[dreg:$0x2] =	wrdreg s2  }
0xa9: {  	[dreg:$0x3] =	wrdreg s4  }
0xaa: {  	[dreg:$0x4] =	wrdreg $0xC0  }
0xab: {  	_ =	task [dreg:s6], $0x5FFFF  }
0xac: {  	[dreg:$0x1] =	wrdreg $0xFFFFFFFF  }
0xad: {  	[dreg:$0x0] =	wrdreg $0x60  }
0xae: {  	[dreg:$0x2] =	wrdreg s24  }
0xaf: {  	[dreg:$0x3] =	wrdreg $0x90000  }
0xb0: {  	[dreg:$0x4] =	wrdreg $0x9  }
0xb1: {  	_ =	task.clear_ibuf [dreg:s6], $0x5FFFF;
	_ =	strace $0x90000046  }
0xb2: {  	s29 =	simm.s32 $0x9;
	_ =	strace $0x80000048  }
0xb3: {  	_ =	swait.ge [sflag:s29], $0x1  }
0xb4: {  	[sflag:s29] =	ssyncadd.s32 $0xFFFFFFFF  }
0xb5: {  	_ =	strace $0x90000048  }
0xb6: {  	_ =	sfence  }
0xb7: {  	s30 =	sld [smem:$0x0];
	_ =	sdelay $0x2  }
0xb8: {  	s31 =	sshll.u32 s1, $0xD;
	s1 =	sshrl.u32 s1, $0x2  }
0xb9: {  	s3 =	sand.u32 $0x4000, s31;
	s1 =	sadd.s32 s1, s30  }
0xba: {  	s0 =	sor.u32 s3, s0;
	s1 =	sshll.u32 s1, $0x11  }
0xbb: {  	s0 =	sor.u32 s1, s0  }
0xbc: {  	s0 =	sadd.s32 $0x8F2B, s0  }
0xbd: {  	[sflag:s0] =	ssyncadd.remote.s32 $0x1  }
0xbe: {  	_ =	sfence.sel $0xFFFF  }
0xbf: {  	[dreg:$0x0] =	wrdreg $0xFFFFFFFF;
	(pc) =	sbr.abs _section_cstart, $3  }
0xc0: {  	[dreg:$0x1] =	wrdreg $0xFFFFFFFF  }
0xc1: {  	_ =	task.clear_ibuf [dreg:s6], $0x2FFFF;
	_ =	strace $0x9FFFFFFF  }
0xc2: {  	(tm) =	ssettm $0x7FFFFFFF  }
0xc3: {  	_ =	shalt  }
tec
execute0_lowered:
.L_overlay_start_1:
0x0: {  	(tag) =	ssettag $0x1  }
0x1: {  	s0 =	srdreg.scid;
	s4 =	rddreg [dreg:$0x0]  }
0x2: {  	s9 =	stileid.u32;
	s1 =	rddreg [dreg:$0x1];
	s2 =	simm.s32 $0x0  }
0x3: {  	s5 =	sand.u32 $0x1, s0;
	s6 =	smul.u32 $0xA00, s9;
	s0 =	rddreg [dreg:$0x2]  }
0x4: {  	s14 =	simm.s32 $0x0;
	[smem:$0x7FF] =	sst s2;
	s7 =	smul.u32 $0x4E000, s9  }
0x5: {  	s10 =	sadd.s32 $0x1B200, s4;
	s11 =	smul.u32 $0x13800, s9;
	s13 =	sadd.s32 $0x138000, s1  }
0x6: {  	p0 =	sne.s32 s9, $0x0;
	s31 =	sshll.u32 s9, $0x6;
	s9 =	simm.s32 $0x1  }
0x7: {  	s3 =	smul.u32 $0xA000, s5;
	_ =	strace $0x80000047;
	s8 =	ssub.s32 $0x2, s5  }
0x8: {  	s5 =	smul.u32 $0x138800, s5;
	s26 =	sshrl.u32 s8, $0x1;
	s28 =	sshrl.u32 s7, $0x2  }
0x9: {  	s3 =	sadd.s32 s6, s3;
	s8 =	ssub.s32 s8, s26;
	s12 =	sadd.s32 s28, s1  }
0xa: {  	s29 =	sadd.s32 s11, s5;
	s5 =	sshrl.u32 s5, $0x3;
	s6 =	sadd.s32 s3, s4  }
0xb: {  	s3 =	sadd.s32 $0x18A00, s4;
	s30 =	sadd.s32 s10, s5;
	s7 =	smax.u32 s8, $0x1  }
0xc: {  	s8 =	simm.s32 $0x4000;
	s11 =	sshrl.u32 s12, $0x3;
	s12 =	sshrl.u32 @!p0 s13, $0x3  }
0xd: {  	s13 =	simm.s32 $0x80;
	s4 =	sadd.s32 $0x4A00, s6;
	s6 =	sshrl.u32 s29, $0x3  }
0xe: {  	v0 =	vimm.f32 $1.000000000e+00;
	s5 =	sadd.s32 s10, s6;
	s6 =	sadd.s32 $0x27000, s30;
	s10 =	sor.u32 $0x1C01, s31  }
.LBB2_1:
0xf: {  	s15 =	simm.s32 $0x200;
	s16 =	simm.s32 $0x0  }
.LBB2_2:
0x10: {  	p1 =	sne.s32 s15, $0xFE00;
	[tilespmem:s16+$0x0] =	vst v0;
	s16 =	smov.u32 s15;
	s15 =	sadd.s32 $0x200, s15  }
.Ltmp0:
0x11: {  	(pc) =	sbr.rel @p1 .LBB2_2-.Ltmp0, $2  }
0x12: {  	_ =	sdelay $0x2  }
0x13: {  	s16 =	sshra.s32 s16, $0x2  }
0x14: {  	[tilespmem:s16+$0x0] =	vst v0  }
0x15: {  	[tilespmem:s8], [sflag:$0x1] =	stream.linear.gather [hbm4b:s4+s2], $0x5000, $0x38;
	[tilespmem:$0xB720] =	vst v63  }
0x16: {  	_ =	swait.ge [sflag:s9], $0x5000  }
0x17: {  	[sflag:s9] =	ssyncset.done $0x0  }
0x18: {  	[sflag:s9] =	ssyncadd.s32 $0xFFFFB000  }
0x19: {  	[spmem:s11], [sflag:s10] =	dma.local [hbm:s3], $0x2700  }
0x1a: {  	_ =	swait.ge [sflag:s9], $0x2700  }
0x1b: {  	[sflag:s9] =	ssyncset.done $0x0  }
0x1c: {  	s15 =	simm.s32 @!p0 $0x1;
	[sflag:s9] =	ssyncadd.s32 $0xFFFFD900  }
0x1d: {  	[spmem:s12], [sflag:s10] =	dma.local @!p0 [hbm:s3], $0x100  }
0x1e: {  	_ =	swait.ge @!p0 [sflag:s15], $0x100  }
0x1f: {  	[sflag:s15] =	ssyncset.done @!p0 $0x0  }
0x20: {  	[sflag:s15] =	ssyncadd.s32 @!p0 $0xFFFFFF00  }
0x21: {  	s31 =	simm.s32 $0x4000;
	[bflag:$0x0] =	sbarrier.arrive $0xFFFF  }
0x22: {  	[spmem:s1] =	stream.indirect.scatter.add.f32 [tilespmem:s2], [sflag:$0x1], $0x10, s31, s13, $0xb8;
	[tilespmem:$0xB720] =	vst v63  }
0x23: {  	s15 =	simm.s32 $0x200;
	_ =	swait.ge [sflag:s9], $0x800  }
.LBB2_4:
0x24: {  	s16 =	sshra.s32 s15, $0x2;
	[sflag:s9] =	ssyncset.done $0x0;
	p1 =	sne.s32 s15, $0x13E00  }
.Ltmp1:
0x25: {  	s16 =	sadd.s32 $0x4000, s16;
	[sflag:s9] =	ssyncadd.s32 $0xFFFFF800;
	(pc) =	sbr.rel @p1 .LBB2_4-.Ltmp1, $3  }
0x26: {  	[spmem:s1] =	stream.indirect.scatter.add.f32 [tilespmem:s2], [sflag:$0x1], $0x10, s16, s13, $0xb8;
	[tilespmem:$0xB720] =	vst v63  }
0x27: {  	s15 =	sadd.s32 $0x200, s15;
	_ =	sdelay $0x1  }
0x28: {  	_ =	swait.ge [sflag:s9], $0x800  }
0x29: {  	[sflag:s9] =	ssyncset.done $0x0  }
0x2a: {  	[sflag:s9] =	ssyncadd.s32 $0xFFFFF800  }
0x2b: {  	[bflag:$0x0] =	sbarrier.arrive $0xFFFF  }
0x2c: {  	[hbm:s5], [sflag:s10] =	dma.local [spmem:s11], $0x2700  }
0x2d: {  	s14 =	sadd.s32 $0x1, s14;
	_ =	swait.ge [sflag:s9], $0x2700  }
0x2e: {  	p1 =	sne.s32 s14, s7;
	[sflag:s9] =	ssyncset.done $0x0  }
.Ltmp2:
0x2f: {  	s15 =	simm.s32 @!p0 $0x1;
	[sflag:s9] =	ssyncadd.s32 $0xFFFFD900;
	(pc) =	sbr.rel @p1 .LBB2_1-.Ltmp2, $4  }
0x30: {  	[hbm:s6], [sflag:s10] =	dma.local @!p0 [spmem:s12], $0x100  }
0x31: {  	_ =	swait.ge @!p0 [sflag:s15], $0x100  }
0x32: {  	[sflag:s15] =	ssyncset.done @!p0 $0x0  }
0x33: {  	[sflag:s15] =	ssyncadd.s32 @!p0 $0xFFFFFF00  }
0x34: {  	_ =	sfence.sel $0x180000  }
0x35: {  	[bflag:$0x0] =	sbarrier.arrive $0xFFFF  }
0x36: {  	_ =	strace $0x90000047  }
0x37: {  	s0 =	sadd.s32 @!p0 $0x100000, s0;
	[bflag:$0x2] =	sbarrier.arrive $0xFFFF  }
0x38: {  	[sflag:s0] =	ssyncadd.tile.s32 @!p0 $0x1;
	_ =	shalt  }
.Lfunc_end2:
_tile_overlayer_lowered:
.L_overlay_start_2:
0x39: {  	(tag) =	ssettag $0x2  }
0x3a: {  	s0 =	rddreg [dreg:$0x0];
	s2 =	stileid.u32  }
0x3b: {  	s1 =	rddreg [dreg:$0x1];
	p0 =	sne.s32 s2, $0x0  }
0x3c: {  	s3 =	rddreg [dreg:$0x2];
	[bflag:$0x3] =	sbarrier.arrive $0xFFFF;
	s2 =	simm.s32 @!p0 $0x1C01  }
0x3d: {  	[timem:s3], [sflag:s2] =	dma.local @!p0 [hbm:s0], s1  }
0x3e: {  	s0 =	simm.s32 @!p0 $0x1  }
0x3f: {  	_ =	swait.ge @!p0 [sflag:s0], s1  }
0x40: {  	s1 =	ssub.s32 @!p0 $0x0, s1;
	[sflag:s0] =	ssyncset.done @!p0 $0x0  }
0x41: {  	[sflag:s0] =	ssyncadd.s32 @!p0 s1  }
0x42: {  	[bflag:$0x3] =	sbarrier.arrive $0xFFFF  }
0x43: {  	_ =	shalt  }

// kernel: kernel.14.cloned.1.call-start
scs
__scs_entry_jumppad:
0x0: {  	(pc) =	sbr.rel $0x88, $3  }
0x1: {  	(tag) =	ssettag $0x0;
	lr =	simm.s32 $0x1  }
0x2: {  	[smem:$0x3F89] =	sst lr;
	_ =	strace $0xD0000000  }
0x3: {  	_ = 	snop  }
0x4: {  	_ = 	snop  }
0x5: {  	_ = 	snop  }
0x6: {  	_ = 	snop  }
0x7: {  	_ = 	snop  }
__scs_overlays_trampoline_lowered:
0x8: {  	[smem:$0x3F98] =	sst s0  }
0x9: {  	[smem:$0x3F99] =	sst s1  }
0xa: {  	[smem:$0x3F9A] =	sst s2  }
0xb: {  	[smem:$0x3F9B] =	sst s3  }
0xc: {  	[smem:$0x3F9C] =	sst s4  }
0xd: {  	[smem:$0x3F9D] =	sst s5  }
0xe: {  	[smem:$0x3F9E] =	sst s6  }
0xf: {  	[smem:$0x3F9F] =	sst s7  }
0x10: {  	[smem:$0x3FA0] =	sst s8  }
0x11: {  	[smem:$0x3FA1] =	sst s9;
	s0 =	simm.s32 @!p0 $0x0  }
0x12: {  	s1 =	sld [smem:$0x3F87];
	s0 =	simm.s32 @p0 $0x1  }
0x13: {  	[smem:$0x3FA2] =	sst s0;
	s0 =	simm.s32 @!p1 $0x0  }
0x14: {  	s2 =	sld [smem:$0x3F86];
	s0 =	simm.s32 @p1 $0x1  }
0x15: {  	[smem:$0x3FA3] =	sst s0;
	s0 =	simm.s32 @!p2 $0x0  }
0x16: {  	s3 =	sld [smem:$0x3FDB];
	s0 =	simm.s32 @p2 $0x1  }
0x17: {  	s4 =	simm.s32 $0x1BF5;
	[smem:$0x3FA5] =	sst s0  }
0x18: {  	s0 =	sld [smem:$0x3F88];
	_ =	swait.ge [sflag:s4], $0x0  }
0x19: {  	s7 =	sld [smem:$0x3F89]  }
0x1a: {  	s8 =	sadd.s32 $0xFFFFE003, lr  }
0x1b: {  	s9 =	sadd.s32 $0xFFFFFEF7, lr;
	s5 =	simm.s32 $0xFFFFFFFF;
	p2 =	slt.u32 s8, $0xFFFFF086  }
0x1c: {  	p1 =	slt.u32 s9, $0xF7A;
	s5 =	simm.s32 @!p2 $0x0  }
0x1d: {  	s5 =	simm.s32 @p1 $0x1;
	p0 =	seq.s32 s7, s2  }
0x1e: {  	s7 =	smul.u32 @!p0 $0xF7A, s2;
	p2 =	seq.s32 @!p0 s5, $0x0  }
0x1f: {  	s9 =	smul.u32 $0xF7A, s1;
	s8 =	simm.s32 @!p0 $0x1BF5;
	p2 =	por !p2, p0  }
0x20: {  	[sflag:s8] =	ssyncset.s32 @!p0 $0xFFFFF086;
	s6 =	sadd.s32 @!p0 s3, s7;
	s7 =	simm.s32 @!p0 $0x108  }
0x21: {  	s3 =	sadd.s32 s3, s9;
	s6 =	sadd.s32 @!p0 $0x88, s6;
	s7 =	simm.s32 @p2 $0x1082  }
0x22: {  	[simem:s7], [sflag:s8] =	dma.local @!p0 [hbm:s6], $0xF7A  }
0x23: {  	s9 =	sor.u32 $0xD0000000, s2;
	s6 =	simm.s32 $0x108;
	_ =	swait.ge @!p0 [sflag:s8], $0x0  }
0x24: {  	s3 =	sadd.s32 $0x88, s3;
	s6 =	simm.s32 @!p1 $0x1082;
	[sflag:s4] =	ssyncset.s32 $0xFFFFF086  }
0x25: {  	[simem:s6], [sflag:s4] =	dma.local [hbm:s3], $0xF7A  }
0x26: {  	[smem:$0x3F89] =	sst s1;
	(tag) =	ssettag s2;
	_ =	strace s9  }
0x27: {  	s1 =	sld [smem:$0x3F99]  }
0x28: {  	s2 =	sld [smem:$0x3F9A]  }
0x29: {  	s4 =	sld [smem:$0x3F9C]  }
0x2a: {  	p0 =	seq.s32 s5, $0x0;
	s5 =	sld [smem:$0x3F9D]  }
0x2b: {  	s6 =	sld [smem:$0x3F9E]  }
0x2c: {  	s7 =	sld [smem:$0x3F9F]  }
0x2d: {  	s3 =	simm.s32 $0x108;
	s8 =	sld [smem:$0x3FA0]  }
0x2e: {  	s3 =	simm.s32 @!p0 $0x1082;
	s9 =	sld [smem:$0x3FA1]  }
0x2f: {  	lr =	sadd.s32 s0, s3;
	s0 =	sld [smem:$0x3F98]  }
0x30: {  	s3 =	sld [smem:$0x3F9B]  }
0x31: {  	[smem:$0x3FA4] =	sst s10  }
0x32: {  	s10 =	sld [smem:$0x3FA2];
	_ =	sdelay $0x3  }
0x33: {  	p0 =	seq.s32 s10, $0x1;
	s10 =	sld [smem:$0x3FA4];
	_ =	sdelay $0x3  }
0x34: {  	[smem:$0x3FA4] =	sst s10  }
0x35: {  	s10 =	sld [smem:$0x3FA3];
	_ =	sdelay $0x3  }
0x36: {  	p1 =	seq.s32 s10, $0x1;
	s10 =	sld [smem:$0x3FA4];
	_ =	sdelay $0x3  }
0x37: {  	[smem:$0x3FA4] =	sst s10  }
0x38: {  	s10 =	sld [smem:$0x3FA5]  }
0x39: {  	_ = 	snop;
	(pc) =	sbr.ind lr, $3  }
0x3a: {  	_ = 	snop  }
0x3b: {  	_ = 	snop  }
0x3c: {  	p2 =	seq.s32 s10, $0x1;
	s10 =	sld [smem:$0x3FA4]  }
0x3d: {  	_ =	shalt  }
0x3e: {  	_ =	shalt  }
0x3f: {  	_ =	shalt  }
0x40: {  	_ =	shalt  }
0x41: {  	_ =	shalt  }
0x42: {  	_ =	shalt  }
0x43: {  	_ =	shalt  }
0x44: {  	_ =	shalt  }
0x45: {  	_ =	shalt  }
0x46: {  	_ =	shalt  }
0x47: {  	_ =	shalt  }
0x48: {  	_ =	shalt  }
0x49: {  	_ =	shalt  }
0x4a: {  	_ =	shalt  }
0x4b: {  	_ =	shalt  }
0x4c: {  	_ =	shalt  }
0x4d: {  	_ =	shalt  }
0x4e: {  	_ =	shalt  }
0x4f: {  	_ =	shalt  }
0x50: {  	_ =	shalt  }
0x51: {  	_ =	shalt  }
0x52: {  	_ =	shalt  }
0x53: {  	_ =	shalt  }
0x54: {  	_ =	shalt  }
0x55: {  	_ =	shalt  }
0x56: {  	_ =	shalt  }
0x57: {  	_ =	shalt  }
0x58: {  	_ =	shalt  }
0x59: {  	_ =	shalt  }
0x5a: {  	_ =	shalt  }
0x5b: {  	_ =	shalt  }
0x5c: {  	_ =	shalt  }
0x5d: {  	_ =	shalt  }
0x5e: {  	_ =	shalt  }
0x5f: {  	_ =	shalt  }
0x60: {  	_ =	shalt  }
0x61: {  	_ =	shalt  }
0x62: {  	_ =	shalt  }
0x63: {  	_ =	shalt  }
0x64: {  	_ =	shalt  }
0x65: {  	_ =	shalt  }
0x66: {  	_ =	shalt  }
0x67: {  	_ =	shalt  }
0x68: {  	_ =	shalt  }
0x69: {  	_ =	shalt  }
0x6a: {  	_ =	shalt  }
0x6b: {  	_ =	shalt  }
0x6c: {  	_ =	shalt  }
0x6d: {  	_ =	shalt  }
0x6e: {  	_ =	shalt  }
0x6f: {  	_ =	shalt  }
0x70: {  	_ =	shalt  }
0x71: {  	_ =	shalt  }
0x72: {  	_ =	shalt  }
0x73: {  	_ =	shalt  }
0x74: {  	_ =	shalt  }
0x75: {  	_ =	shalt  }
0x76: {  	_ =	shalt  }
0x77: {  	_ =	shalt  }
0x78: {  	_ =	shalt  }
0x79: {  	_ =	shalt  }
0x7a: {  	_ =	shalt  }
0x7b: {  	_ =	shalt  }
0x7c: {  	_ =	shalt  }
0x7d: {  	_ =	shalt  }
0x7e: {  	_ =	shalt  }
0x7f: {  	_ =	shalt  }
0x80: {  	_ =	shalt  }
0x81: {  	_ =	shalt  }
0x82: {  	_ =	shalt  }
0x83: {  	_ =	shalt  }
0x84: {  	_ =	shalt  }
0x85: {  	_ =	shalt  }
0x86: {  	_ =	shalt  }
0x87: {  	_ =	shalt  }
.Lfunc_end0:
.L_simem_size_0:
called_computation.1_lowered:
.L_overlay_start_0:
0x88: {  	s2 =	sld [smem:$0x3FD9]  }
0x89: {  	s3 =	sld [smem:$0x3FFE];
	_ =	sdelay $0x1  }
0x8a: {  	s1 =	srdreg.scid  }
0x8b: {  	s0 =	sand.u32 $0x1, s1  }
0x8c: {  	s16 =	sshll.u32 s0, $0xA;
	s2 =	sadd.s32 s3, s2  }
0x8d: {  	s2 =	sadd.s32 s2, s16  }
0x8e: {  	[smem:$0x3FB0] =	sst s2  }
0x8f: {  	_ = 	snop  }
0x90: {  	(tm) =	ssettm $0x1  }
0x91: {  	s17 =	sld [smem:$0x3FFB];
	_ =	sdelay $0x3  }
0x92: {  	_ =	strace s17  }
0x93: {  	s2 =	sld [smem:$0x3FFC];
	_ =	sdelay $0x3  }
0x94: {  	_ =	strace s2  }
0x95: {  	s2 =	sld [smem:$0x3FFD];
	_ =	sdelay $0x3  }
0x96: {  	_ =	strace s2  }
0x97: {  	_ =	strace $0x8FFFFFFF  }
0x98: {  	s18 =	sld [smem:$0x3FDB];
	_ =	sdelay $0x1  }
0x99: {  	s19 =	simm.s32 $_scs_section_size  }
0x9a: {  	s4 =	simm.s32 $_size__tile_overlayer_lowered;
	s5 =	simm.s32 $_tile_overlayer_lowered  }
0x9b: {  	s22 =	simm.s32 $0x1BFF;
	s21 =	sshll.u32 s5, $0x1;
	s2 =	sadd.s32 s19, s18  }
0x9c: {  	s6 =	simm.s32 $0x0;
	s20 =	sshll.u32 s4, $0x1;
	s4 =	sadd.s32 s21, s2  }
0x9d: {  	[timem:s6], [sflag:s22] =	dma.local [hbm:s4], s20  }
0x9e: {  	_ =	swait.ge [sflag:s22], s20  }
0x9f: {  	s3 =	ssub.s32 $0x0, s20;
	[sflag:s22] =	ssyncset.done $0x0  }
0xa0: {  	[sflag:s22] =	ssyncadd.s32 s3;
	_ =	sdelay $0x1  }
0xa1: {  	s23 =	simm.s32 $0x1B8B  }
0xa2: {  	_ =	swait.ge [sflag:s23], $0x1  }
0xa3: {  	[sflag:s23] =	ssyncset.done $0x0  }
0xa4: {  	s25 =	simm.s32 $0x1B8E;
	s24 =	sld [smem:$0x3FFE];
	[sflag:s23] =	ssyncadd.s32 $0xFFFFFFFF  }
0xa5: {  	s26 =	simm.s32 $execute0_lowered;
	[smem:$0x3FD2] =	sst s25  }
0xa6: {  	s4 =	sshll.u32 s26, $0x1;
	_ =	strace $0x80000049;
	[dreg:$0x1] =	wrdreg $0xFFFFFFFF  }
0xa7: {  	s28 =	simm.s32 $_size_execute0_lowered;
	s2 =	sadd.s32 s2, s4;
	[dreg:$0x0] =	wrdreg $0x0  }
0xa8: {  	s4 =	sshll.u32 s28, $0x1;
	[dreg:$0x2] =	wrdreg s2  }
0xa9: {  	[dreg:$0x3] =	wrdreg s4  }
0xaa: {  	[dreg:$0x4] =	wrdreg $0xC0  }
0xab: {  	_ =	task [dreg:s6], $0x5FFFF  }
0xac: {  	[dreg:$0x1] =	wrdreg $0xFFFFFFFF  }
0xad: {  	[dreg:$0x0] =	wrdreg $0x60  }
0xae: {  	[dreg:$0x2] =	wrdreg s24  }
0xaf: {  	[dreg:$0x3] =	wrdreg $0x82000  }
0xb0: {  	[dreg:$0x4] =	wrdreg $0x9  }
0xb1: {  	_ =	task.clear_ibuf [dreg:s6], $0x5FFFF;
	_ =	strace $0x90000049  }
0xb2: {  	s29 =	simm.s32 $0x9;
	_ =	strace $0x8000004B  }
0xb3: {  	_ =	swait.ge [sflag:s29], $0x1  }
0xb4: {  	[sflag:s29] =	ssyncadd.s32 $0xFFFFFFFF  }
0xb5: {  	_ =	strace $0x9000004B  }
0xb6: {  	_ =	sfence  }
0xb7: {  	s30 =	sld [smem:$0x0];
	_ =	sdelay $0x2  }
0xb8: {  	s31 =	sshll.u32 s1, $0xD;
	s1 =	sshrl.u32 s1, $0x2  }
0xb9: {  	s3 =	sand.u32 $0x4000, s31;
	s1 =	sadd.s32 s1, s30  }
0xba: {  	s0 =	sor.u32 s3, s0;
	s1 =	sshll.u32 s1, $0x11  }
0xbb: {  	s0 =	sor.u32 s1, s0  }
0xbc: {  	s0 =	sadd.s32 $0x8F2B, s0  }
0xbd: {  	[sflag:s0] =	ssyncadd.remote.s32 $0x1  }
0xbe: {  	_ =	sfence.sel $0xFFFF  }
0xbf: {  	[dreg:$0x0] =	wrdreg $0xFFFFFFFF;
	(pc) =	sbr.abs _section_cstart, $3  }
0xc0: {  	[dreg:$0x1] =	wrdreg $0xFFFFFFFF  }
0xc1: {  	_ =	task.clear_ibuf [dreg:s6], $0x2FFFF;
	_ =	strace $0x9FFFFFFF  }
0xc2: {  	(tm) =	ssettm $0x7FFFFFFF  }
0xc3: {  	_ =	shalt  }
tec
execute0_lowered:
.L_overlay_start_1:
0x0: {  	(tag) =	ssettag $0x1  }
0x1: {  	s5 =	rddreg [dreg:$0x0]  }
0x2: {  	s0 =	srdreg.scid;
	s10 =	stileid.u32  }
0x3: {  	s1 =	rddreg [dreg:$0x1];
	s2 =	simm.s32 $0x0;
	s15 =	simm.s32 $0x1  }
0x4: {  	s16 =	simm.s32 $0x100;
	s17 =	simm.s32 $0x4200;
	s18 =	simm.s32 $0x2  }
0x5: {  	s19 =	simm.s32 $0x180;
	s20 =	simm.s32 $0x0;
	s3 =	smul.u32 $0xA0, s10  }
0x6: {  	s4 =	sand.u32 $0x1, s0;
	s0 =	rddreg [dreg:$0x2];
	s7 =	smul.u32 $0x4E000, s10  }
0x7: {  	[smem:$0x7FF] =	sst s2;
	s12 =	smul.u32 $0x13800, s10;
	s13 =	sadd.s32 $0xDF600, s5  }
0x8: {  	s29 =	sshll.u32 s10, $0x6;
	p0 =	sne.s32 s10, $0x0;
	s6 =	smul.u32 $0xA00, s4  }
0x9: {  	_ =	strace $0x8000004A;
	s26 =	ssub.s32 $0x2, s4;
	s8 =	smul.u32 $0x138800, s4  }
0xa: {  	s4 =	sadd.s32 $0x52C00, s5;
	s11 =	sshrl.u32 s26, $0x1;
	s28 =	sshrl.u32 s7, $0x2  }
0xb: {  	s6 =	sadd.s32 s3, s6;
	s3 =	sadd.s32 $0x4A00, s5;
	s11 =	ssub.s32 s26, s11  }
0xc: {  	s14 =	sadd.s32 s28, s1;
	s30 =	sadd.s32 s12, s8;
	s31 =	sshrl.u32 s8, $0x3  }
0xd: {  	s12 =	sadd.s32 $0x138000, s1;
	s6 =	sshll.u32 s6, $0x5;
	s7 =	sadd.s32 s13, s31  }
0xe: {  	s8 =	smax.u32 s11, $0x1;
	s10 =	sshrl.u32 s14, $0x3;
	s11 =	simm.s32 $0x3  }
0xf: {  	s12 =	sshrl.u32 @!p0 s12, $0x3;
	s14 =	simm.s32 $0x200;
	s9 =	sadd.s32 s6, s5  }
0x10: {  	s5 =	sor.u32 $0x1C03, s29;
	s6 =	sshrl.u32 s30, $0x3;
	s7 =	sadd.s32 $0x27000, s7  }
0x11: {  	s6 =	sadd.s32 s13, s6;
	s9 =	sadd.s32 $0x69400, s9;
	s13 =	simm.s32 $0x80  }
.LBB2_1:
0x12: {  	[spmem:s10], [sflag:s5] =	dma.local [hbm:s4], $0x2700  }
0x13: {  	_ =	swait.ge [sflag:s11], $0x2700  }
0x14: {  	[sflag:s11] =	ssyncset.done $0x0  }
0x15: {  	s21 =	simm.s32 @!p0 $0x3;
	[sflag:s11] =	ssyncadd.s32 $0xFFFFD900  }
0x16: {  	[spmem:s12], [sflag:s5] =	dma.local @!p0 [hbm:s4], $0x100  }
0x17: {  	_ =	swait.ge @!p0 [sflag:s21], $0x100  }
0x18: {  	[sflag:s21] =	ssyncset.done @!p0 $0x0  }
0x19: {  	[sflag:s21] =	ssyncadd.s32 @!p0 $0xFFFFFF00  }
0x1a: {  	s31 =	sadd.s32 $0x0, s9;
	[bflag:$0x0] =	sbarrier.arrive $0xFFFF  }
0x1b: {  	[tilespmem:s2], [sflag:$0x3] =	stream.linear.gather [hbm4b:s31+s2], $0x200, $0x38;
	[tilespmem:$0x1BB00] =	vst v63  }
0x1c: {  	_ =	swait.ge [sflag:s11], $0x200  }
0x1d: {  	[sflag:s11] =	ssyncset.done $0x0  }
0x1e: {  	[sflag:s11] =	ssyncadd.s32 $0xFFFFFE00  }
0x1f: {  	[tilespmem:s14], [sflag:$0x1] =	stream.indirect.gather [hbm4b:s3+s13], $0x80, s2, s13, $0xb8;
	[tilespmem:$0x1BB00] =	vst v63  }
0x20: {  	_ =	swait.ge [sflag:s15], $0x4000  }
0x21: {  	[sflag:s15] =	ssyncset.done $0x0  }
0x22: {  	[sflag:s15] =	ssyncadd.s32 $0xFFFFC000  }
0x23: {  	[spmem:s1] =	stream.indirect.scatter.add.f32 [tilespmem:s14], [sflag:$0x3], $0x80, s13, s13, $0xb8;
	[tilespmem:$0x1BB00] =	vst v63  }
0x24: {  	_ =	swait.ge [sflag:s11], $0x4000  }
0x25: {  	[sflag:s11] =	ssyncset.done $0x0  }
0x26: {  	[sflag:s11] =	ssyncadd.s32 $0xFFFFC000  }
0x27: {  	[tilespmem:s17], [sflag:$0x2] =	stream.indirect.gather [hbm4b:s3+s13], $0x80, s16, s13, $0xb8;
	[tilespmem:$0x1BB00] =	vst v63  }
0x28: {  	_ =	swait.ge [sflag:s18], $0x4000  }
0x29: {  	[sflag:s18] =	ssyncset.done $0x0  }
0x2a: {  	[sflag:s18] =	ssyncadd.s32 $0xFFFFC000  }
0x2b: {  	[spmem:s1] =	stream.indirect.scatter.add.f32 [tilespmem:s17], [sflag:$0x3], $0x80, s19, s13, $0xb8;
	[tilespmem:$0x1BB00] =	vst v63  }
0x2c: {  	_ =	swait.ge [sflag:s11], $0x4000  }
0x2d: {  	s22 =	simm.s32 $0x80;
	s21 =	simm.s32 $0x40;
	[sflag:s11] =	ssyncset.done $0x0  }
.LBB2_2:
0x2e: {  	s23 =	sadd.s32 s21, s9  }
0x2f: {  	[sflag:s11] =	ssyncadd.s32 $0xFFFFC000;
	s21 =	smov.u32 s22;
	s24 =	sadd.s32 $0x40, s22  }
0x30: {  	[tilespmem:s2], [sflag:$0x3] =	stream.linear.gather [hbm4b:s23+s2], $0x200, $0x38;
	[tilespmem:$0x1BB00] =	vst v63  }
0x31: {  	p1 =	sne.s32 s22, $0x13C0;
	_ =	swait.ge [sflag:s11], $0x200  }
0x32: {  	[sflag:s11] =	ssyncset.done $0x0  }
0x33: {  	[sflag:s11] =	ssyncadd.s32 $0xFFFFFE00  }
0x34: {  	[tilespmem:s14], [sflag:$0x1] =	stream.indirect.gather [hbm4b:s3+s13], $0x80, s2, s13, $0xb8;
	[tilespmem:$0x1BB00] =	vst v63  }
0x35: {  	_ =	swait.ge [sflag:s15], $0x4000  }
0x36: {  	[sflag:s15] =	ssyncset.done $0x0  }
0x37: {  	[sflag:s15] =	ssyncadd.s32 $0xFFFFC000  }
0x38: {  	[spmem:s1] =	stream.indirect.scatter.add.f32 [tilespmem:s14], [sflag:$0x3], $0x80, s13, s13, $0xb8;
	[tilespmem:$0x1BB00] =	vst v63  }
0x39: {  	_ =	swait.ge [sflag:s11], $0x4000  }
0x3a: {  	[sflag:s11] =	ssyncset.done $0x0  }
0x3b: {  	[sflag:s11] =	ssyncadd.s32 $0xFFFFC000  }
0x3c: {  	[tilespmem:s17], [sflag:$0x2] =	stream.indirect.gather [hbm4b:s3+s13], $0x80, s16, s13, $0xb8;
	[tilespmem:$0x1BB00] =	vst v63  }
0x3d: {  	_ =	swait.ge [sflag:s18], $0x4000  }
.Ltmp0:
0x3e: {  	[sflag:s18] =	ssyncset.done $0x0;
	(pc) =	sbr.rel @p1 .LBB2_2-.Ltmp0, $4  }
0x3f: {  	[sflag:s18] =	ssyncadd.s32 $0xFFFFC000  }
0x40: {  	[spmem:s1] =	stream.indirect.scatter.add.f32 [tilespmem:s17], [sflag:$0x3], $0x80, s19, s13, $0xb8;
	[tilespmem:$0x1BB00] =	vst v63  }
0x41: {  	_ =	swait.ge [sflag:s11], $0x4000  }
0x42: {  	s22 =	smov.u32 s24;
	[sflag:s11] =	ssyncset.done $0x0  }
0x43: {  	s21 =	sadd.s32 s21, s9;
	[sflag:s11] =	ssyncadd.s32 $0xFFFFC000  }
0x44: {  	[tilespmem:s2], [sflag:$0x3] =	stream.linear.gather [hbm4b:s21+s2], $0x200, $0x38;
	[tilespmem:$0x1BB00] =	vst v63  }
0x45: {  	_ =	swait.ge [sflag:s11], $0x200  }
0x46: {  	[sflag:s11] =	ssyncset.done $0x0  }
0x47: {  	[sflag:s11] =	ssyncadd.s32 $0xFFFFFE00  }
0x48: {  	[tilespmem:s14], [sflag:$0x1] =	stream.indirect.gather [hbm4b:s3+s13], $0x80, s2, s13, $0xb8;
	[tilespmem:$0x1BB00] =	vst v63  }
0x49: {  	_ =	swait.ge [sflag:s15], $0x4000  }
0x4a: {  	[sflag:s15] =	ssyncset.done $0x0  }
0x4b: {  	[sflag:s15] =	ssyncadd.s32 $0xFFFFC000  }
0x4c: {  	[spmem:s1] =	stream.indirect.scatter.add.f32 [tilespmem:s14], [sflag:$0x3], $0x80, s13, s13, $0xb8;
	[tilespmem:$0x1BB00] =	vst v63  }
0x4d: {  	_ =	swait.ge [sflag:s11], $0x4000  }
0x4e: {  	[sflag:s11] =	ssyncset.done $0x0  }
0x4f: {  	[sflag:s11] =	ssyncadd.s32 $0xFFFFC000  }
0x50: {  	[tilespmem:s17], [sflag:$0x2] =	stream.indirect.gather [hbm4b:s3+s13], $0x80, s16, s13, $0xb8;
	[tilespmem:$0x1BB00] =	vst v63  }
0x51: {  	_ =	swait.ge [sflag:s18], $0x4000  }
0x52: {  	[sflag:s18] =	ssyncset.done $0x0  }
0x53: {  	[sflag:s18] =	ssyncadd.s32 $0xFFFFC000  }
0x54: {  	[spmem:s1] =	stream.indirect.scatter.add.f32 [tilespmem:s17], [sflag:$0x3], $0x80, s19, s13, $0xb8;
	[tilespmem:$0x1BB00] =	vst v63  }
0x55: {  	_ =	swait.ge [sflag:s11], $0x4000  }
0x56: {  	[sflag:s11] =	ssyncset.done $0x0  }
0x57: {  	[sflag:s11] =	ssyncadd.s32 $0xFFFFC000  }
0x58: {  	[bflag:$0x0] =	sbarrier.arrive $0xFFFF  }
0x59: {  	[hbm:s6], [sflag:s5] =	dma.local [spmem:s10], $0x2700  }
0x5a: {  	s20 =	sadd.s32 $0x1, s20;
	_ =	swait.ge [sflag:s11], $0x2700  }
0x5b: {  	p1 =	sne.s32 s20, s8;
	[sflag:s11] =	ssyncset.done $0x0  }
.Ltmp1:
0x5c: {  	s21 =	simm.s32 @!p0 $0x3;
	[sflag:s11] =	ssyncadd.s32 $0xFFFFD900;
	(pc) =	sbr.rel @p1 .LBB2_1-.Ltmp1, $4  }
0x5d: {  	[hbm:s7], [sflag:s5] =	dma.local @!p0 [spmem:s12], $0x100  }
0x5e: {  	_ =	swait.ge @!p0 [sflag:s21], $0x100  }
0x5f: {  	[sflag:s21] =	ssyncset.done @!p0 $0x0  }
0x60: {  	[sflag:s21] =	ssyncadd.s32 @!p0 $0xFFFFFF00  }
0x61: {  	_ =	sfence.sel $0x180000  }
0x62: {  	[bflag:$0x0] =	sbarrier.arrive $0xFFFF  }
0x63: {  	_ =	strace $0x9000004A  }
0x64: {  	s0 =	sadd.s32 @!p0 $0x100000, s0;
	[bflag:$0x2] =	sbarrier.arrive $0xFFFF  }
0x65: {  	[sflag:s0] =	ssyncadd.tile.s32 @!p0 $0x1;
	_ =	shalt  }
.Lfunc_end2:
_tile_overlayer_lowered:
.L_overlay_start_2:
0x66: {  	(tag) =	ssettag $0x2  }
0x67: {  	s0 =	rddreg [dreg:$0x0];
	s2 =	stileid.u32  }
0x68: {  	s1 =	rddreg [dreg:$0x1];
	p0 =	sne.s32 s2, $0x0  }
0x69: {  	s3 =	rddreg [dreg:$0x2];
	[bflag:$0x3] =	sbarrier.arrive $0xFFFF;
	s2 =	simm.s32 @!p0 $0x1C03  }
0x6a: {  	[timem:s3], [sflag:s2] =	dma.local @!p0 [hbm:s0], s1  }
0x6b: {  	s0 =	simm.s32 @!p0 $0x3  }
0x6c: {  	_ =	swait.ge @!p0 [sflag:s0], s1  }
0x6d: {  	s1 =	ssub.s32 @!p0 $0x0, s1;
	[sflag:s0] =	ssyncset.done @!p0 $0x0  }
0x6e: {  	[sflag:s0] =	ssyncadd.s32 @!p0 s1  }
0x6f: {  	[bflag:$0x3] =	sbarrier.arrive $0xFFFF  }
0x70: {  	_ =	shalt  }

// kernel: kernel.17.cloned.1.call-start
scs
__scs_entry_jumppad:
0x0: {  	(pc) =	sbr.rel $0x88, $3  }
0x1: {  	(tag) =	ssettag $0x0;
	lr =	simm.s32 $0x1  }
0x2: {  	[smem:$0x3F89] =	sst lr;
	_ =	strace $0xD0000000  }
0x3: {  	_ = 	snop  }
0x4: {  	_ = 	snop  }
0x5: {  	_ = 	snop  }
0x6: {  	_ = 	snop  }
0x7: {  	_ = 	snop  }
__scs_overlays_trampoline_lowered:
0x8: {  	[smem:$0x3F98] =	sst s0  }
0x9: {  	[smem:$0x3F99] =	sst s1  }
0xa: {  	[smem:$0x3F9A] =	sst s2  }
0xb: {  	[smem:$0x3F9B] =	sst s3  }
0xc: {  	[smem:$0x3F9C] =	sst s4  }
0xd: {  	[smem:$0x3F9D] =	sst s5  }
0xe: {  	[smem:$0x3F9E] =	sst s6  }
0xf: {  	[smem:$0x3F9F] =	sst s7  }
0x10: {  	[smem:$0x3FA0] =	sst s8  }
0x11: {  	[smem:$0x3FA1] =	sst s9;
	s0 =	simm.s32 @!p0 $0x0  }
0x12: {  	s1 =	sld [smem:$0x3F87];
	s0 =	simm.s32 @p0 $0x1  }
0x13: {  	[smem:$0x3FA2] =	sst s0;
	s0 =	simm.s32 @!p1 $0x0  }
0x14: {  	s2 =	sld [smem:$0x3F86];
	s0 =	simm.s32 @p1 $0x1  }
0x15: {  	[smem:$0x3FA3] =	sst s0;
	s0 =	simm.s32 @!p2 $0x0  }
0x16: {  	s3 =	sld [smem:$0x3FDB];
	s0 =	simm.s32 @p2 $0x1  }
0x17: {  	s4 =	simm.s32 $0x1BF5;
	[smem:$0x3FA5] =	sst s0  }
0x18: {  	s0 =	sld [smem:$0x3F88];
	_ =	swait.ge [sflag:s4], $0x0  }
0x19: {  	s7 =	sld [smem:$0x3F89]  }
0x1a: {  	s8 =	sadd.s32 $0xFFFFE003, lr  }
0x1b: {  	s9 =	sadd.s32 $0xFFFFFEF7, lr;
	s5 =	simm.s32 $0xFFFFFFFF;
	p2 =	slt.u32 s8, $0xFFFFF086  }
0x1c: {  	p1 =	slt.u32 s9, $0xF7A;
	s5 =	simm.s32 @!p2 $0x0  }
0x1d: {  	s5 =	simm.s32 @p1 $0x1;
	p0 =	seq.s32 s7, s2  }
0x1e: {  	s7 =	smul.u32 @!p0 $0xF7A, s2;
	p2 =	seq.s32 @!p0 s5, $0x0  }
0x1f: {  	s9 =	smul.u32 $0xF7A, s1;
	s8 =	simm.s32 @!p0 $0x1BF5;
	p2 =	por !p2, p0  }
0x20: {  	[sflag:s8] =	ssyncset.s32 @!p0 $0xFFFFF086;
	s6 =	sadd.s32 @!p0 s3, s7;
	s7 =	simm.s32 @!p0 $0x108  }
0x21: {  	s3 =	sadd.s32 s3, s9;
	s6 =	sadd.s32 @!p0 $0x88, s6;
	s7 =	simm.s32 @p2 $0x1082  }
0x22: {  	[simem:s7], [sflag:s8] =	dma.local @!p0 [hbm:s6], $0xF7A  }
0x23: {  	s9 =	sor.u32 $0xD0000000, s2;
	s6 =	simm.s32 $0x108;
	_ =	swait.ge @!p0 [sflag:s8], $0x0  }
0x24: {  	s3 =	sadd.s32 $0x88, s3;
	s6 =	simm.s32 @!p1 $0x1082;
	[sflag:s4] =	ssyncset.s32 $0xFFFFF086  }
0x25: {  	[simem:s6], [sflag:s4] =	dma.local [hbm:s3], $0xF7A  }
0x26: {  	[smem:$0x3F89] =	sst s1;
	(tag) =	ssettag s2;
	_ =	strace s9  }
0x27: {  	s1 =	sld [smem:$0x3F99]  }
0x28: {  	s2 =	sld [smem:$0x3F9A]  }
0x29: {  	s4 =	sld [smem:$0x3F9C]  }
0x2a: {  	p0 =	seq.s32 s5, $0x0;
	s5 =	sld [smem:$0x3F9D]  }
0x2b: {  	s6 =	sld [smem:$0x3F9E]  }
0x2c: {  	s7 =	sld [smem:$0x3F9F]  }
0x2d: {  	s3 =	simm.s32 $0x108;
	s8 =	sld [smem:$0x3FA0]  }
0x2e: {  	s3 =	simm.s32 @!p0 $0x1082;
	s9 =	sld [smem:$0x3FA1]  }
0x2f: {  	lr =	sadd.s32 s0, s3;
	s0 =	sld [smem:$0x3F98]  }
0x30: {  	s3 =	sld [smem:$0x3F9B]  }
0x31: {  	[smem:$0x3FA4] =	sst s10  }
0x32: {  	s10 =	sld [smem:$0x3FA2];
	_ =	sdelay $0x3  }
0x33: {  	p0 =	seq.s32 s10, $0x1;
	s10 =	sld [smem:$0x3FA4];
	_ =	sdelay $0x3  }
0x34: {  	[smem:$0x3FA4] =	sst s10  }
0x35: {  	s10 =	sld [smem:$0x3FA3];
	_ =	sdelay $0x3  }
0x36: {  	p1 =	seq.s32 s10, $0x1;
	s10 =	sld [smem:$0x3FA4];
	_ =	sdelay $0x3  }
0x37: {  	[smem:$0x3FA4] =	sst s10  }
0x38: {  	s10 =	sld [smem:$0x3FA5]  }
0x39: {  	_ = 	snop;
	(pc) =	sbr.ind lr, $3  }
0x3a: {  	_ = 	snop  }
0x3b: {  	_ = 	snop  }
0x3c: {  	p2 =	seq.s32 s10, $0x1;
	s10 =	sld [smem:$0x3FA4]  }
0x3d: {  	_ =	shalt  }
0x3e: {  	_ =	shalt  }
0x3f: {  	_ =	shalt  }
0x40: {  	_ =	shalt  }
0x41: {  	_ =	shalt  }
0x42: {  	_ =	shalt  }
0x43: {  	_ =	shalt  }
0x44: {  	_ =	shalt  }
0x45: {  	_ =	shalt  }
0x46: {  	_ =	shalt  }
0x47: {  	_ =	shalt  }
0x48: {  	_ =	shalt  }
0x49: {  	_ =	shalt  }
0x4a: {  	_ =	shalt  }
0x4b: {  	_ =	shalt  }
0x4c: {  	_ =	shalt  }
0x4d: {  	_ =	shalt  }
0x4e: {  	_ =	shalt  }
0x4f: {  	_ =	shalt  }
0x50: {  	_ =	shalt  }
0x51: {  	_ =	shalt  }
0x52: {  	_ =	shalt  }
0x53: {  	_ =	shalt  }
0x54: {  	_ =	shalt  }
0x55: {  	_ =	shalt  }
0x56: {  	_ =	shalt  }
0x57: {  	_ =	shalt  }
0x58: {  	_ =	shalt  }
0x59: {  	_ =	shalt  }
0x5a: {  	_ =	shalt  }
0x5b: {  	_ =	shalt  }
0x5c: {  	_ =	shalt  }
0x5d: {  	_ =	shalt  }
0x5e: {  	_ =	shalt  }
0x5f: {  	_ =	shalt  }
0x60: {  	_ =	shalt  }
0x61: {  	_ =	shalt  }
0x62: {  	_ =	shalt  }
0x63: {  	_ =	shalt  }
0x64: {  	_ =	shalt  }
0x65: {  	_ =	shalt  }
0x66: {  	_ =	shalt  }
0x67: {  	_ =	shalt  }
0x68: {  	_ =	shalt  }
0x69: {  	_ =	shalt  }
0x6a: {  	_ =	shalt  }
0x6b: {  	_ =	shalt  }
0x6c: {  	_ =	shalt  }
0x6d: {  	_ =	shalt  }
0x6e: {  	_ =	shalt  }
0x6f: {  	_ =	shalt  }
0x70: {  	_ =	shalt  }
0x71: {  	_ =	shalt  }
0x72: {  	_ =	shalt  }
0x73: {  	_ =	shalt  }
0x74: {  	_ =	shalt  }
0x75: {  	_ =	shalt  }
0x76: {  	_ =	shalt  }
0x77: {  	_ =	shalt  }
0x78: {  	_ =	shalt  }
0x79: {  	_ =	shalt  }
0x7a: {  	_ =	shalt  }
0x7b: {  	_ =	shalt  }
0x7c: {  	_ =	shalt  }
0x7d: {  	_ =	shalt  }
0x7e: {  	_ =	shalt  }
0x7f: {  	_ =	shalt  }
0x80: {  	_ =	shalt  }
0x81: {  	_ =	shalt  }
0x82: {  	_ =	shalt  }
0x83: {  	_ =	shalt  }
0x84: {  	_ =	shalt  }
0x85: {  	_ =	shalt  }
0x86: {  	_ =	shalt  }
0x87: {  	_ =	shalt  }
.Lfunc_end0:
.L_simem_size_0:
called_computation.2_lowered:
.L_overlay_start_0:
0x88: {  	s2 =	sld [smem:$0x3FD9]  }
0x89: {  	s3 =	sld [smem:$0x3FFE];
	_ =	sdelay $0x1  }
0x8a: {  	s1 =	srdreg.scid  }
0x8b: {  	s0 =	sand.u32 $0x1, s1  }
0x8c: {  	s16 =	sshll.u32 s0, $0xA;
	s2 =	sadd.s32 s3, s2  }
0x8d: {  	s2 =	sadd.s32 s2, s16  }
0x8e: {  	[smem:$0x3FB0] =	sst s2  }
0x8f: {  	_ = 	snop  }
0x90: {  	(tm) =	ssettm $0x1  }
0x91: {  	s17 =	sld [smem:$0x3FFB];
	_ =	sdelay $0x3  }
0x92: {  	_ =	strace s17  }
0x93: {  	s2 =	sld [smem:$0x3FFC];
	_ =	sdelay $0x3  }
0x94: {  	_ =	strace s2  }
0x95: {  	s2 =	sld [smem:$0x3FFD];
	_ =	sdelay $0x3  }
0x96: {  	_ =	strace s2  }
0x97: {  	_ =	strace $0x8FFFFFFF  }
0x98: {  	s18 =	sld [smem:$0x3FDB];
	_ =	sdelay $0x1  }
0x99: {  	s19 =	simm.s32 $_scs_section_size  }
0x9a: {  	s4 =	simm.s32 $_size__tile_overlayer_lowered;
	s5 =	simm.s32 $_tile_overlayer_lowered  }
0x9b: {  	s22 =	simm.s32 $0x1BFF;
	s21 =	sshll.u32 s5, $0x1;
	s2 =	sadd.s32 s19, s18  }
0x9c: {  	s6 =	simm.s32 $0x0;
	s20 =	sshll.u32 s4, $0x1;
	s4 =	sadd.s32 s21, s2  }
0x9d: {  	[timem:s6], [sflag:s22] =	dma.local [hbm:s4], s20  }
0x9e: {  	_ =	swait.ge [sflag:s22], s20  }
0x9f: {  	s3 =	ssub.s32 $0x0, s20;
	[sflag:s22] =	ssyncset.done $0x0  }
0xa0: {  	[sflag:s22] =	ssyncadd.s32 s3;
	_ =	sdelay $0x1  }
0xa1: {  	s23 =	simm.s32 $0x1B8B  }
0xa2: {  	_ =	swait.ge [sflag:s23], $0x1  }
0xa3: {  	[sflag:s23] =	ssyncset.done $0x0  }
0xa4: {  	s25 =	simm.s32 $0x1B8E;
	s24 =	sld [smem:$0x3FFE];
	[sflag:s23] =	ssyncadd.s32 $0xFFFFFFFF  }
0xa5: {  	s26 =	simm.s32 $execute0_lowered;
	[smem:$0x3FD2] =	sst s25  }
0xa6: {  	s4 =	sshll.u32 s26, $0x1;
	_ =	strace $0x8000004C;
	[dreg:$0x1] =	wrdreg $0xFFFFFFFF  }
0xa7: {  	s28 =	simm.s32 $_size_execute0_lowered;
	s2 =	sadd.s32 s2, s4;
	[dreg:$0x0] =	wrdreg $0x0  }
0xa8: {  	s4 =	sshll.u32 s28, $0x1;
	[dreg:$0x2] =	wrdreg s2  }
0xa9: {  	[dreg:$0x3] =	wrdreg s4  }
0xaa: {  	[dreg:$0x4] =	wrdreg $0xC0  }
0xab: {  	_ =	task [dreg:s6], $0x5FFFF  }
0xac: {  	[dreg:$0x1] =	wrdreg $0xFFFFFFFF  }
0xad: {  	[dreg:$0x0] =	wrdreg $0x60  }
0xae: {  	[dreg:$0x2] =	wrdreg s24  }
0xaf: {  	[dreg:$0x3] =	wrdreg $0x82000  }
0xb0: {  	[dreg:$0x4] =	wrdreg $0x9  }
0xb1: {  	_ =	task.clear_ibuf [dreg:s6], $0x5FFFF;
	_ =	strace $0x9000004C  }
0xb2: {  	s29 =	simm.s32 $0x9;
	_ =	strace $0x8000004E  }
0xb3: {  	_ =	swait.ge [sflag:s29], $0x1  }
0xb4: {  	[sflag:s29] =	ssyncadd.s32 $0xFFFFFFFF  }
0xb5: {  	_ =	strace $0x9000004E  }
0xb6: {  	_ =	sfence  }
0xb7: {  	s30 =	sld [smem:$0x0];
	_ =	sdelay $0x2  }
0xb8: {  	s31 =	sshll.u32 s1, $0xD;
	s1 =	sshrl.u32 s1, $0x2  }
0xb9: {  	s3 =	sand.u32 $0x4000, s31;
	s1 =	sadd.s32 s1, s30  }
0xba: {  	s0 =	sor.u32 s3, s0;
	s1 =	sshll.u32 s1, $0x11  }
0xbb: {  	s0 =	sor.u32 s1, s0  }
0xbc: {  	s0 =	sadd.s32 $0x8F2B, s0  }
0xbd: {  	[sflag:s0] =	ssyncadd.remote.s32 $0x1  }
0xbe: {  	_ =	sfence.sel $0xFFFF  }
0xbf: {  	[dreg:$0x0] =	wrdreg $0xFFFFFFFF;
	(pc) =	sbr.abs _section_cstart, $3  }
0xc0: {  	[dreg:$0x1] =	wrdreg $0xFFFFFFFF  }
0xc1: {  	_ =	task.clear_ibuf [dreg:s6], $0x2FFFF;
	_ =	strace $0x9FFFFFFF  }
0xc2: {  	(tm) =	ssettm $0x7FFFFFFF  }
0xc3: {  	_ =	shalt  }
tec
execute0_lowered:
.L_overlay_start_1:
0x0: {  	(tag) =	ssettag $0x1  }
0x1: {  	s5 =	rddreg [dreg:$0x0]  }
0x2: {  	s0 =	srdreg.scid;
	s10 =	stileid.u32  }
0x3: {  	s1 =	rddreg [dreg:$0x1];
	s2 =	simm.s32 $0x0;
	s15 =	simm.s32 $0x1  }
0x4: {  	s16 =	simm.s32 $0x100;
	s17 =	simm.s32 $0x4200;
	s18 =	simm.s32 $0x2  }
0x5: {  	s19 =	simm.s32 $0x180;
	s20 =	simm.s32 $0x0;
	s3 =	smul.u32 $0xA0, s10  }
0x6: {  	s4 =	sand.u32 $0x1, s0;
	s0 =	rddreg [dreg:$0x2];
	s7 =	smul.u32 $0x4E000, s10  }
0x7: {  	[smem:$0x7FF] =	sst s2;
	s12 =	smul.u32 $0x13800, s10;
	s13 =	sadd.s32 $0xDF600, s5  }
0x8: {  	s29 =	sshll.u32 s10, $0x6;
	p0 =	sne.s32 s10, $0x0;
	s6 =	smul.u32 $0xA00, s4  }
0x9: {  	_ =	strace $0x8000004D;
	s26 =	ssub.s32 $0x2, s4;
	s8 =	smul.u32 $0x138800, s4  }
0xa: {  	s4 =	sadd.s32 $0x52C00, s5;
	s11 =	sshrl.u32 s26, $0x1;
	s28 =	sshrl.u32 s7, $0x2  }
0xb: {  	s6 =	sadd.s32 s3, s6;
	s3 =	sadd.s32 $0x4A00, s5;
	s11 =	ssub.s32 s26, s11  }
0xc: {  	s14 =	sadd.s32 s28, s1;
	s30 =	sadd.s32 s12, s8;
	s31 =	sshrl.u32 s8, $0x3  }
0xd: {  	s12 =	sadd.s32 $0x138000, s1;
	s6 =	sshll.u32 s6, $0x5;
	s7 =	sadd.s32 s13, s31  }
0xe: {  	s8 =	smax.u32 s11, $0x1;
	s10 =	sshrl.u32 s14, $0x3;
	s11 =	simm.s32 $0x3  }
0xf: {  	s12 =	sshrl.u32 @!p0 s12, $0x3;
	s14 =	simm.s32 $0x200;
	s9 =	sadd.s32 s6, s5  }
0x10: {  	s5 =	sor.u32 $0x1C03, s29;
	s6 =	sshrl.u32 s30, $0x3;
	s7 =	sadd.s32 $0x27000, s7  }
0x11: {  	s6 =	sadd.s32 s13, s6;
	s9 =	sadd.s32 $0x69400, s9;
	s13 =	simm.s32 $0x80  }
.LBB2_1:
0x12: {  	[spmem:s10], [sflag:s5] =	dma.local [hbm:s4], $0x2700  }
0x13: {  	_ =	swait.ge [sflag:s11], $0x2700  }
0x14: {  	[sflag:s11] =	ssyncset.done $0x0  }
0x15: {  	s21 =	simm.s32 @!p0 $0x3;
	[sflag:s11] =	ssyncadd.s32 $0xFFFFD900  }
0x16: {  	[spmem:s12], [sflag:s5] =	dma.local @!p0 [hbm:s4], $0x100  }
0x17: {  	_ =	swait.ge @!p0 [sflag:s21], $0x100  }
0x18: {  	[sflag:s21] =	ssyncset.done @!p0 $0x0  }
0x19: {  	[sflag:s21] =	ssyncadd.s32 @!p0 $0xFFFFFF00  }
0x1a: {  	s31 =	sadd.s32 $0x0, s9;
	[bflag:$0x0] =	sbarrier.arrive $0xFFFF  }
0x1b: {  	[tilespmem:s2], [sflag:$0x3] =	stream.linear.gather [hbm4b:s31+s2], $0x200, $0x38;
	[tilespmem:$0x1BB00] =	vst v63  }
0x1c: {  	_ =	swait.ge [sflag:s11], $0x200  }
0x1d: {  	[sflag:s11] =	ssyncset.done $0x0  }
0x1e: {  	[sflag:s11] =	ssyncadd.s32 $0xFFFFFE00  }
0x1f: {  	[tilespmem:s14], [sflag:$0x1] =	stream.indirect.gather [hbm4b:s3+s13], $0x80, s2, s13, $0xb8;
	[tilespmem:$0x1BB00] =	vst v63  }
0x20: {  	_ =	swait.ge [sflag:s15], $0x4000  }
0x21: {  	[sflag:s15] =	ssyncset.done $0x0  }
0x22: {  	[sflag:s15] =	ssyncadd.s32 $0xFFFFC000  }
0x23: {  	[spmem:s1] =	stream.indirect.scatter.add.f32 [tilespmem:s14], [sflag:$0x3], $0x80, s13, s13, $0xb8;
	[tilespmem:$0x1BB00] =	vst v63  }
0x24: {  	_ =	swait.ge [sflag:s11], $0x4000  }
0x25: {  	[sflag:s11] =	ssyncset.done $0x0  }
0x26: {  	[sflag:s11] =	ssyncadd.s32 $0xFFFFC000  }
0x27: {  	[tilespmem:s17], [sflag:$0x2] =	stream.indirect.gather [hbm4b:s3+s13], $0x80, s16, s13, $0xb8;
	[tilespmem:$0x1BB00] =	vst v63  }
0x28: {  	_ =	swait.ge [sflag:s18], $0x4000  }
0x29: {  	[sflag:s18] =	ssyncset.done $0x0  }
0x2a: {  	[sflag:s18] =	ssyncadd.s32 $0xFFFFC000  }
0x2b: {  	[spmem:s1] =	stream.indirect.scatter.add.f32 [tilespmem:s17], [sflag:$0x3], $0x80, s19, s13, $0xb8;
	[tilespmem:$0x1BB00] =	vst v63  }
0x2c: {  	_ =	swait.ge [sflag:s11], $0x4000  }
0x2d: {  	s22 =	simm.s32 $0x80;
	s21 =	simm.s32 $0x40;
	[sflag:s11] =	ssyncset.done $0x0  }
.LBB2_2:
0x2e: {  	s23 =	sadd.s32 s21, s9  }
0x2f: {  	[sflag:s11] =	ssyncadd.s32 $0xFFFFC000;
	s21 =	smov.u32 s22;
	s24 =	sadd.s32 $0x40, s22  }
0x30: {  	[tilespmem:s2], [sflag:$0x3] =	stream.linear.gather [hbm4b:s23+s2], $0x200, $0x38;
	[tilespmem:$0x1BB00] =	vst v63  }
0x31: {  	p1 =	sne.s32 s22, $0x13C0;
	_ =	swait.ge [sflag:s11], $0x200  }
0x32: {  	[sflag:s11] =	ssyncset.done $0x0  }
0x33: {  	[sflag:s11] =	ssyncadd.s32 $0xFFFFFE00  }
0x34: {  	[tilespmem:s14], [sflag:$0x1] =	stream.indirect.gather [hbm4b:s3+s13], $0x80, s2, s13, $0xb8;
	[tilespmem:$0x1BB00] =	vst v63  }
0x35: {  	_ =	swait.ge [sflag:s15], $0x4000  }
0x36: {  	[sflag:s15] =	ssyncset.done $0x0  }
0x37: {  	[sflag:s15] =	ssyncadd.s32 $0xFFFFC000  }
0x38: {  	[spmem:s1] =	stream.indirect.scatter.add.f32 [tilespmem:s14], [sflag:$0x3], $0x80, s13, s13, $0xb8;
	[tilespmem:$0x1BB00] =	vst v63  }
0x39: {  	_ =	swait.ge [sflag:s11], $0x4000  }
0x3a: {  	[sflag:s11] =	ssyncset.done $0x0  }
0x3b: {  	[sflag:s11] =	ssyncadd.s32 $0xFFFFC000  }
0x3c: {  	[tilespmem:s17], [sflag:$0x2] =	stream.indirect.gather [hbm4b:s3+s13], $0x80, s16, s13, $0xb8;
	[tilespmem:$0x1BB00] =	vst v63  }
0x3d: {  	_ =	swait.ge [sflag:s18], $0x4000  }
.Ltmp0:
0x3e: {  	[sflag:s18] =	ssyncset.done $0x0;
	(pc) =	sbr.rel @p1 .LBB2_2-.Ltmp0, $4  }
0x3f: {  	[sflag:s18] =	ssyncadd.s32 $0xFFFFC000  }
0x40: {  	[spmem:s1] =	stream.indirect.scatter.add.f32 [tilespmem:s17], [sflag:$0x3], $0x80, s19, s13, $0xb8;
	[tilespmem:$0x1BB00] =	vst v63  }
0x41: {  	_ =	swait.ge [sflag:s11], $0x4000  }
0x42: {  	s22 =	smov.u32 s24;
	[sflag:s11] =	ssyncset.done $0x0  }
0x43: {  	s21 =	sadd.s32 s21, s9;
	[sflag:s11] =	ssyncadd.s32 $0xFFFFC000  }
0x44: {  	[tilespmem:s2], [sflag:$0x3] =	stream.linear.gather [hbm4b:s21+s2], $0x200, $0x38;
	[tilespmem:$0x1BB00] =	vst v63  }
0x45: {  	_ =	swait.ge [sflag:s11], $0x200  }
0x46: {  	[sflag:s11] =	ssyncset.done $0x0  }
0x47: {  	[sflag:s11] =	ssyncadd.s32 $0xFFFFFE00  }
0x48: {  	[tilespmem:s14], [sflag:$0x1] =	stream.indirect.gather [hbm4b:s3+s13], $0x80, s2, s13, $0xb8;
	[tilespmem:$0x1BB00] =	vst v63  }
0x49: {  	_ =	swait.ge [sflag:s15], $0x4000  }
0x4a: {  	[sflag:s15] =	ssyncset.done $0x0  }
0x4b: {  	[sflag:s15] =	ssyncadd.s32 $0xFFFFC000  }
0x4c: {  	[spmem:s1] =	stream.indirect.scatter.add.f32 [tilespmem:s14], [sflag:$0x3], $0x80, s13, s13, $0xb8;
	[tilespmem:$0x1BB00] =	vst v63  }
0x4d: {  	_ =	swait.ge [sflag:s11], $0x4000  }
0x4e: {  	[sflag:s11] =	ssyncset.done $0x0  }
0x4f: {  	[sflag:s11] =	ssyncadd.s32 $0xFFFFC000  }
0x50: {  	[tilespmem:s17], [sflag:$0x2] =	stream.indirect.gather [hbm4b:s3+s13], $0x80, s16, s13, $0xb8;
	[tilespmem:$0x1BB00] =	vst v63  }
0x51: {  	_ =	swait.ge [sflag:s18], $0x4000  }
0x52: {  	[sflag:s18] =	ssyncset.done $0x0  }
0x53: {  	[sflag:s18] =	ssyncadd.s32 $0xFFFFC000  }
0x54: {  	[spmem:s1] =	stream.indirect.scatter.add.f32 [tilespmem:s17], [sflag:$0x3], $0x80, s19, s13, $0xb8;
	[tilespmem:$0x1BB00] =	vst v63  }
0x55: {  	_ =	swait.ge [sflag:s11], $0x4000  }
0x56: {  	[sflag:s11] =	ssyncset.done $0x0  }
0x57: {  	[sflag:s11] =	ssyncadd.s32 $0xFFFFC000  }
0x58: {  	[bflag:$0x0] =	sbarrier.arrive $0xFFFF  }
0x59: {  	[hbm:s6], [sflag:s5] =	dma.local [spmem:s10], $0x2700  }
0x5a: {  	s20 =	sadd.s32 $0x1, s20;
	_ =	swait.ge [sflag:s11], $0x2700  }
0x5b: {  	p1 =	sne.s32 s20, s8;
	[sflag:s11] =	ssyncset.done $0x0  }
.Ltmp1:
0x5c: {  	s21 =	simm.s32 @!p0 $0x3;
	[sflag:s11] =	ssyncadd.s32 $0xFFFFD900;
	(pc) =	sbr.rel @p1 .LBB2_1-.Ltmp1, $4  }
0x5d: {  	[hbm:s7], [sflag:s5] =	dma.local @!p0 [spmem:s12], $0x100  }
0x5e: {  	_ =	swait.ge @!p0 [sflag:s21], $0x100  }
0x5f: {  	[sflag:s21] =	ssyncset.done @!p0 $0x0  }
0x60: {  	[sflag:s21] =	ssyncadd.s32 @!p0 $0xFFFFFF00  }
0x61: {  	_ =	sfence.sel $0x180000  }
0x62: {  	[bflag:$0x0] =	sbarrier.arrive $0xFFFF  }
0x63: {  	_ =	strace $0x9000004D  }
0x64: {  	s0 =	sadd.s32 @!p0 $0x100000, s0;
	[bflag:$0x2] =	sbarrier.arrive $0xFFFF  }
0x65: {  	[sflag:s0] =	ssyncadd.tile.s32 @!p0 $0x1;
	_ =	shalt  }
.Lfunc_end2:
_tile_overlayer_lowered:
.L_overlay_start_2:
0x66: {  	(tag) =	ssettag $0x2  }
0x67: {  	s0 =	rddreg [dreg:$0x0];
	s2 =	stileid.u32  }
0x68: {  	s1 =	rddreg [dreg:$0x1];
	p0 =	sne.s32 s2, $0x0  }
0x69: {  	s3 =	rddreg [dreg:$0x2];
	[bflag:$0x3] =	sbarrier.arrive $0xFFFF;
	s2 =	simm.s32 @!p0 $0x1C03  }
0x6a: {  	[timem:s3], [sflag:s2] =	dma.local @!p0 [hbm:s0], s1  }
0x6b: {  	s0 =	simm.s32 @!p0 $0x3  }
0x6c: {  	_ =	swait.ge @!p0 [sflag:s0], s1  }
0x6d: {  	s1 =	ssub.s32 @!p0 $0x0, s1;
	[sflag:s0] =	ssyncset.done @!p0 $0x0  }
0x6e: {  	[sflag:s0] =	ssyncadd.s32 @!p0 s1  }
0x6f: {  	[bflag:$0x3] =	sbarrier.arrive $0xFFFF  }
0x70: {  	_ =	shalt  }

// kernel: kernel.20.cloned.1.call-start
scs
__scs_entry_jumppad:
0x0: {  	(pc) =	sbr.rel $0x88, $3  }
0x1: {  	(tag) =	ssettag $0x0;
	lr =	simm.s32 $0x1  }
0x2: {  	[smem:$0x3F89] =	sst lr;
	_ =	strace $0xD0000000  }
0x3: {  	_ = 	snop  }
0x4: {  	_ = 	snop  }
0x5: {  	_ = 	snop  }
0x6: {  	_ = 	snop  }
0x7: {  	_ = 	snop  }
__scs_overlays_trampoline_lowered:
0x8: {  	[smem:$0x3F98] =	sst s0  }
0x9: {  	[smem:$0x3F99] =	sst s1  }
0xa: {  	[smem:$0x3F9A] =	sst s2  }
0xb: {  	[smem:$0x3F9B] =	sst s3  }
0xc: {  	[smem:$0x3F9C] =	sst s4  }
0xd: {  	[smem:$0x3F9D] =	sst s5  }
0xe: {  	[smem:$0x3F9E] =	sst s6  }
0xf: {  	[smem:$0x3F9F] =	sst s7  }
0x10: {  	[smem:$0x3FA0] =	sst s8  }
0x11: {  	[smem:$0x3FA1] =	sst s9;
	s0 =	simm.s32 @!p0 $0x0  }
0x12: {  	s1 =	sld [smem:$0x3F87];
	s0 =	simm.s32 @p0 $0x1  }
0x13: {  	[smem:$0x3FA2] =	sst s0;
	s0 =	simm.s32 @!p1 $0x0  }
0x14: {  	s2 =	sld [smem:$0x3F86];
	s0 =	simm.s32 @p1 $0x1  }
0x15: {  	[smem:$0x3FA3] =	sst s0;
	s0 =	simm.s32 @!p2 $0x0  }
0x16: {  	s3 =	sld [smem:$0x3FDB];
	s0 =	simm.s32 @p2 $0x1  }
0x17: {  	s4 =	simm.s32 $0x1BF5;
	[smem:$0x3FA5] =	sst s0  }
0x18: {  	s0 =	sld [smem:$0x3F88];
	_ =	swait.ge [sflag:s4], $0x0  }
0x19: {  	s7 =	sld [smem:$0x3F89]  }
0x1a: {  	s8 =	sadd.s32 $0xFFFFE003, lr  }
0x1b: {  	s9 =	sadd.s32 $0xFFFFFEF7, lr;
	s5 =	simm.s32 $0xFFFFFFFF;
	p2 =	slt.u32 s8, $0xFFFFF086  }
0x1c: {  	p1 =	slt.u32 s9, $0xF7A;
	s5 =	simm.s32 @!p2 $0x0  }
0x1d: {  	s5 =	simm.s32 @p1 $0x1;
	p0 =	seq.s32 s7, s2  }
0x1e: {  	s7 =	smul.u32 @!p0 $0xF7A, s2;
	p2 =	seq.s32 @!p0 s5, $0x0  }
0x1f: {  	s9 =	smul.u32 $0xF7A, s1;
	s8 =	simm.s32 @!p0 $0x1BF5;
	p2 =	por !p2, p0  }
0x20: {  	[sflag:s8] =	ssyncset.s32 @!p0 $0xFFFFF086;
	s6 =	sadd.s32 @!p0 s3, s7;
	s7 =	simm.s32 @!p0 $0x108  }
0x21: {  	s3 =	sadd.s32 s3, s9;
	s6 =	sadd.s32 @!p0 $0x88, s6;
	s7 =	simm.s32 @p2 $0x1082  }
0x22: {  	[simem:s7], [sflag:s8] =	dma.local @!p0 [hbm:s6], $0xF7A  }
0x23: {  	s9 =	sor.u32 $0xD0000000, s2;
	s6 =	simm.s32 $0x108;
	_ =	swait.ge @!p0 [sflag:s8], $0x0  }
0x24: {  	s3 =	sadd.s32 $0x88, s3;
	s6 =	simm.s32 @!p1 $0x1082;
	[sflag:s4] =	ssyncset.s32 $0xFFFFF086  }
0x25: {  	[simem:s6], [sflag:s4] =	dma.local [hbm:s3], $0xF7A  }
0x26: {  	[smem:$0x3F89] =	sst s1;
	(tag) =	ssettag s2;
	_ =	strace s9  }
0x27: {  	s1 =	sld [smem:$0x3F99]  }
0x28: {  	s2 =	sld [smem:$0x3F9A]  }
0x29: {  	s4 =	sld [smem:$0x3F9C]  }
0x2a: {  	p0 =	seq.s32 s5, $0x0;
	s5 =	sld [smem:$0x3F9D]  }
0x2b: {  	s6 =	sld [smem:$0x3F9E]  }
0x2c: {  	s7 =	sld [smem:$0x3F9F]  }
0x2d: {  	s3 =	simm.s32 $0x108;
	s8 =	sld [smem:$0x3FA0]  }
0x2e: {  	s3 =	simm.s32 @!p0 $0x1082;
	s9 =	sld [smem:$0x3FA1]  }
0x2f: {  	lr =	sadd.s32 s0, s3;
	s0 =	sld [smem:$0x3F98]  }
0x30: {  	s3 =	sld [smem:$0x3F9B]  }
0x31: {  	[smem:$0x3FA4] =	sst s10  }
0x32: {  	s10 =	sld [smem:$0x3FA2];
	_ =	sdelay $0x3  }
0x33: {  	p0 =	seq.s32 s10, $0x1;
	s10 =	sld [smem:$0x3FA4];
	_ =	sdelay $0x3  }
0x34: {  	[smem:$0x3FA4] =	sst s10  }
0x35: {  	s10 =	sld [smem:$0x3FA3];
	_ =	sdelay $0x3  }
0x36: {  	p1 =	seq.s32 s10, $0x1;
	s10 =	sld [smem:$0x3FA4];
	_ =	sdelay $0x3  }
0x37: {  	[smem:$0x3FA4] =	sst s10  }
0x38: {  	s10 =	sld [smem:$0x3FA5]  }
0x39: {  	_ = 	snop;
	(pc) =	sbr.ind lr, $3  }
0x3a: {  	_ = 	snop  }
0x3b: {  	_ = 	snop  }
0x3c: {  	p2 =	seq.s32 s10, $0x1;
	s10 =	sld [smem:$0x3FA4]  }
0x3d: {  	_ =	shalt  }
0x3e: {  	_ =	shalt  }
0x3f: {  	_ =	shalt  }
0x40: {  	_ =	shalt  }
0x41: {  	_ =	shalt  }
0x42: {  	_ =	shalt  }
0x43: {  	_ =	shalt  }
0x44: {  	_ =	shalt  }
0x45: {  	_ =	shalt  }
0x46: {  	_ =	shalt  }
0x47: {  	_ =	shalt  }
0x48: {  	_ =	shalt  }
0x49: {  	_ =	shalt  }
0x4a: {  	_ =	shalt  }
0x4b: {  	_ =	shalt  }
0x4c: {  	_ =	shalt  }
0x4d: {  	_ =	shalt  }
0x4e: {  	_ =	shalt  }
0x4f: {  	_ =	shalt  }
0x50: {  	_ =	shalt  }
0x51: {  	_ =	shalt  }
0x52: {  	_ =	shalt  }
0x53: {  	_ =	shalt  }
0x54: {  	_ =	shalt  }
0x55: {  	_ =	shalt  }
0x56: {  	_ =	shalt  }
0x57: {  	_ =	shalt  }
0x58: {  	_ =	shalt  }
0x59: {  	_ =	shalt  }
0x5a: {  	_ =	shalt  }
0x5b: {  	_ =	shalt  }
0x5c: {  	_ =	shalt  }
0x5d: {  	_ =	shalt  }
0x5e: {  	_ =	shalt  }
0x5f: {  	_ =	shalt  }
0x60: {  	_ =	shalt  }
0x61: {  	_ =	shalt  }
0x62: {  	_ =	shalt  }
0x63: {  	_ =	shalt  }
0x64: {  	_ =	shalt  }
0x65: {  	_ =	shalt  }
0x66: {  	_ =	shalt  }
0x67: {  	_ =	shalt  }
0x68: {  	_ =	shalt  }
0x69: {  	_ =	shalt  }
0x6a: {  	_ =	shalt  }
0x6b: {  	_ =	shalt  }
0x6c: {  	_ =	shalt  }
0x6d: {  	_ =	shalt  }
0x6e: {  	_ =	shalt  }
0x6f: {  	_ =	shalt  }
0x70: {  	_ =	shalt  }
0x71: {  	_ =	shalt  }
0x72: {  	_ =	shalt  }
0x73: {  	_ =	shalt  }
0x74: {  	_ =	shalt  }
0x75: {  	_ =	shalt  }
0x76: {  	_ =	shalt  }
0x77: {  	_ =	shalt  }
0x78: {  	_ =	shalt  }
0x79: {  	_ =	shalt  }
0x7a: {  	_ =	shalt  }
0x7b: {  	_ =	shalt  }
0x7c: {  	_ =	shalt  }
0x7d: {  	_ =	shalt  }
0x7e: {  	_ =	shalt  }
0x7f: {  	_ =	shalt  }
0x80: {  	_ =	shalt  }
0x81: {  	_ =	shalt  }
0x82: {  	_ =	shalt  }
0x83: {  	_ =	shalt  }
0x84: {  	_ =	shalt  }
0x85: {  	_ =	shalt  }
0x86: {  	_ =	shalt  }
0x87: {  	_ =	shalt  }
.Lfunc_end0:
.L_simem_size_0:
called_computation.3_lowered:
.L_overlay_start_0:
0x88: {  	s2 =	sld [smem:$0x3FD9]  }
0x89: {  	s3 =	sld [smem:$0x3FFE];
	_ =	sdelay $0x1  }
0x8a: {  	s1 =	srdreg.scid  }
0x8b: {  	s0 =	sand.u32 $0x1, s1  }
0x8c: {  	s16 =	sshll.u32 s0, $0xA;
	s2 =	sadd.s32 s3, s2  }
0x8d: {  	s2 =	sadd.s32 s2, s16  }
0x8e: {  	[smem:$0x3FB0] =	sst s2  }
0x8f: {  	_ = 	snop  }
0x90: {  	(tm) =	ssettm $0x1  }
0x91: {  	s17 =	sld [smem:$0x3FFB];
	_ =	sdelay $0x3  }
0x92: {  	_ =	strace s17  }
0x93: {  	s2 =	sld [smem:$0x3FFC];
	_ =	sdelay $0x3  }
0x94: {  	_ =	strace s2  }
0x95: {  	s2 =	sld [smem:$0x3FFD];
	_ =	sdelay $0x3  }
0x96: {  	_ =	strace s2  }
0x97: {  	_ =	strace $0x8FFFFFFF  }
0x98: {  	s18 =	sld [smem:$0x3FDB];
	_ =	sdelay $0x1  }
0x99: {  	s19 =	simm.s32 $_scs_section_size  }
0x9a: {  	s4 =	simm.s32 $_size__tile_overlayer_lowered;
	s5 =	simm.s32 $_tile_overlayer_lowered  }
0x9b: {  	s22 =	simm.s32 $0x1BFF;
	s21 =	sshll.u32 s5, $0x1;
	s2 =	sadd.s32 s19, s18  }
0x9c: {  	s6 =	simm.s32 $0x0;
	s20 =	sshll.u32 s4, $0x1;
	s4 =	sadd.s32 s21, s2  }
0x9d: {  	[timem:s6], [sflag:s22] =	dma.local [hbm:s4], s20  }
0x9e: {  	_ =	swait.ge [sflag:s22], s20  }
0x9f: {  	s3 =	ssub.s32 $0x0, s20;
	[sflag:s22] =	ssyncset.done $0x0  }
0xa0: {  	[sflag:s22] =	ssyncadd.s32 s3;
	_ =	sdelay $0x1  }
0xa1: {  	s23 =	simm.s32 $0x1B8B  }
0xa2: {  	_ =	swait.ge [sflag:s23], $0x1  }
0xa3: {  	[sflag:s23] =	ssyncset.done $0x0  }
0xa4: {  	s25 =	simm.s32 $0x1B8E;
	s24 =	sld [smem:$0x3FFE];
	[sflag:s23] =	ssyncadd.s32 $0xFFFFFFFF  }
0xa5: {  	s26 =	simm.s32 $execute0_lowered;
	[smem:$0x3FD2] =	sst s25  }
0xa6: {  	s4 =	sshll.u32 s26, $0x1;
	_ =	strace $0x8000004F;
	[dreg:$0x1] =	wrdreg $0xFFFFFFFF  }
0xa7: {  	s28 =	simm.s32 $_size_execute0_lowered;
	s2 =	sadd.s32 s2, s4;
	[dreg:$0x0] =	wrdreg $0x0  }
0xa8: {  	s4 =	sshll.u32 s28, $0x1;
	[dreg:$0x2] =	wrdreg s2  }
0xa9: {  	[dreg:$0x3] =	wrdreg s4  }
0xaa: {  	[dreg:$0x4] =	wrdreg $0xC0  }
0xab: {  	_ =	task [dreg:s6], $0x5FFFF  }
0xac: {  	[dreg:$0x1] =	wrdreg $0xFFFFFFFF  }
0xad: {  	[dreg:$0x0] =	wrdreg $0x60  }
0xae: {  	[dreg:$0x2] =	wrdreg s24  }
0xaf: {  	[dreg:$0x3] =	wrdreg $0x82000  }
0xb0: {  	[dreg:$0x4] =	wrdreg $0x9  }
0xb1: {  	_ =	task.clear_ibuf [dreg:s6], $0x5FFFF;
	_ =	strace $0x9000004F  }
0xb2: {  	s29 =	simm.s32 $0x9;
	_ =	strace $0x80000051  }
0xb3: {  	_ =	swait.ge [sflag:s29], $0x1  }
0xb4: {  	[sflag:s29] =	ssyncadd.s32 $0xFFFFFFFF  }
0xb5: {  	_ =	strace $0x90000051  }
0xb6: {  	_ =	sfence  }
0xb7: {  	s30 =	sld [smem:$0x0];
	_ =	sdelay $0x2  }
0xb8: {  	s31 =	sshll.u32 s1, $0xD;
	s1 =	sshrl.u32 s1, $0x2  }
0xb9: {  	s3 =	sand.u32 $0x4000, s31;
	s1 =	sadd.s32 s1, s30  }
0xba: {  	s0 =	sor.u32 s3, s0;
	s1 =	sshll.u32 s1, $0x11  }
0xbb: {  	s0 =	sor.u32 s1, s0  }
0xbc: {  	s0 =	sadd.s32 $0x8F2B, s0  }
0xbd: {  	[sflag:s0] =	ssyncadd.remote.s32 $0x1  }
0xbe: {  	_ =	sfence.sel $0xFFFF  }
0xbf: {  	[dreg:$0x0] =	wrdreg $0xFFFFFFFF;
	(pc) =	sbr.abs _section_cstart, $3  }
0xc0: {  	[dreg:$0x1] =	wrdreg $0xFFFFFFFF  }
0xc1: {  	_ =	task.clear_ibuf [dreg:s6], $0x2FFFF;
	_ =	strace $0x9FFFFFFF  }
0xc2: {  	(tm) =	ssettm $0x7FFFFFFF  }
0xc3: {  	_ =	shalt  }
tec
execute0_lowered:
.L_overlay_start_1:
0x0: {  	(tag) =	ssettag $0x1  }
0x1: {  	s5 =	rddreg [dreg:$0x0]  }
0x2: {  	s0 =	srdreg.scid;
	s10 =	stileid.u32  }
0x3: {  	s1 =	rddreg [dreg:$0x1];
	s2 =	simm.s32 $0x0;
	s15 =	simm.s32 $0x1  }
0x4: {  	s16 =	simm.s32 $0x100;
	s17 =	simm.s32 $0x4200;
	s18 =	simm.s32 $0x2  }
0x5: {  	s19 =	simm.s32 $0x180;
	s20 =	simm.s32 $0x0;
	s3 =	smul.u32 $0xA0, s10  }
0x6: {  	s4 =	sand.u32 $0x1, s0;
	s0 =	rddreg [dreg:$0x2];
	s7 =	smul.u32 $0x4E000, s10  }
0x7: {  	[smem:$0x7FF] =	sst s2;
	s12 =	smul.u32 $0x13800, s10;
	s13 =	sadd.s32 $0xDF600, s5  }
0x8: {  	s29 =	sshll.u32 s10, $0x6;
	p0 =	sne.s32 s10, $0x0;
	s6 =	smul.u32 $0xA00, s4  }
0x9: {  	_ =	strace $0x80000050;
	s26 =	ssub.s32 $0x2, s4;
	s8 =	smul.u32 $0x138800, s4  }
0xa: {  	s4 =	sadd.s32 $0x52C00, s5;
	s11 =	sshrl.u32 s26, $0x1;
	s28 =	sshrl.u32 s7, $0x2  }
0xb: {  	s6 =	sadd.s32 s3, s6;
	s3 =	sadd.s32 $0x4A00, s5;
	s11 =	ssub.s32 s26, s11  }
0xc: {  	s14 =	sadd.s32 s28, s1;
	s30 =	sadd.s32 s12, s8;
	s31 =	sshrl.u32 s8, $0x3  }
0xd: {  	s12 =	sadd.s32 $0x138000, s1;
	s6 =	sshll.u32 s6, $0x5;
	s7 =	sadd.s32 s13, s31  }
0xe: {  	s8 =	smax.u32 s11, $0x1;
	s10 =	sshrl.u32 s14, $0x3;
	s11 =	simm.s32 $0x3  }
0xf: {  	s12 =	sshrl.u32 @!p0 s12, $0x3;
	s14 =	simm.s32 $0x200;
	s9 =	sadd.s32 s6, s5  }
0x10: {  	s5 =	sor.u32 $0x1C03, s29;
	s6 =	sshrl.u32 s30, $0x3;
	s7 =	sadd.s32 $0x27000, s7  }
0x11: {  	s6 =	sadd.s32 s13, s6;
	s9 =	sadd.s32 $0x69400, s9;
	s13 =	simm.s32 $0x80  }
.LBB2_1:
0x12: {  	[spmem:s10], [sflag:s5] =	dma.local [hbm:s4], $0x2700  }
0x13: {  	_ =	swait.ge [sflag:s11], $0x2700  }
0x14: {  	[sflag:s11] =	ssyncset.done $0x0  }
0x15: {  	s21 =	simm.s32 @!p0 $0x3;
	[sflag:s11] =	ssyncadd.s32 $0xFFFFD900  }
0x16: {  	[spmem:s12], [sflag:s5] =	dma.local @!p0 [hbm:s4], $0x100  }
0x17: {  	_ =	swait.ge @!p0 [sflag:s21], $0x100  }
0x18: {  	[sflag:s21] =	ssyncset.done @!p0 $0x0  }
0x19: {  	[sflag:s21] =	ssyncadd.s32 @!p0 $0xFFFFFF00  }
0x1a: {  	s31 =	sadd.s32 $0x0, s9;
	[bflag:$0x0] =	sbarrier.arrive $0xFFFF  }
0x1b: {  	[tilespmem:s2], [sflag:$0x3] =	stream.linear.gather [hbm4b:s31+s2], $0x200, $0x38;
	[tilespmem:$0x1BB00] =	vst v63  }
0x1c: {  	_ =	swait.ge [sflag:s11], $0x200  }
0x1d: {  	[sflag:s11] =	ssyncset.done $0x0  }
0x1e: {  	[sflag:s11] =	ssyncadd.s32 $0xFFFFFE00  }
0x1f: {  	[tilespmem:s14], [sflag:$0x1] =	stream.indirect.gather [hbm4b:s3+s13], $0x80, s2, s13, $0xb8;
	[tilespmem:$0x1BB00] =	vst v63  }
0x20: {  	_ =	swait.ge [sflag:s15], $0x4000  }
0x21: {  	[sflag:s15] =	ssyncset.done $0x0  }
0x22: {  	[sflag:s15] =	ssyncadd.s32 $0xFFFFC000  }
0x23: {  	[spmem:s1] =	stream.indirect.scatter.add.f32 [tilespmem:s14], [sflag:$0x3], $0x80, s13, s13, $0xb8;
	[tilespmem:$0x1BB00] =	vst v63  }
0x24: {  	_ =	swait.ge [sflag:s11], $0x4000  }
0x25: {  	[sflag:s11] =	ssyncset.done $0x0  }
0x26: {  	[sflag:s11] =	ssyncadd.s32 $0xFFFFC000  }
0x27: {  	[tilespmem:s17], [sflag:$0x2] =	stream.indirect.gather [hbm4b:s3+s13], $0x80, s16, s13, $0xb8;
	[tilespmem:$0x1BB00] =	vst v63  }
0x28: {  	_ =	swait.ge [sflag:s18], $0x4000  }
0x29: {  	[sflag:s18] =	ssyncset.done $0x0  }
0x2a: {  	[sflag:s18] =	ssyncadd.s32 $0xFFFFC000  }
0x2b: {  	[spmem:s1] =	stream.indirect.scatter.add.f32 [tilespmem:s17], [sflag:$0x3], $0x80, s19, s13, $0xb8;
	[tilespmem:$0x1BB00] =	vst v63  }
0x2c: {  	_ =	swait.ge [sflag:s11], $0x4000  }
0x2d: {  	s22 =	simm.s32 $0x80;
	s21 =	simm.s32 $0x40;
	[sflag:s11] =	ssyncset.done $0x0  }
.LBB2_2:
0x2e: {  	s23 =	sadd.s32 s21, s9  }
0x2f: {  	[sflag:s11] =	ssyncadd.s32 $0xFFFFC000;
	s21 =	smov.u32 s22;
	s24 =	sadd.s32 $0x40, s22  }
0x30: {  	[tilespmem:s2], [sflag:$0x3] =	stream.linear.gather [hbm4b:s23+s2], $0x200, $0x38;
	[tilespmem:$0x1BB00] =	vst v63  }
0x31: {  	p1 =	sne.s32 s22, $0x13C0;
	_ =	swait.ge [sflag:s11], $0x200  }
0x32: {  	[sflag:s11] =	ssyncset.done $0x0  }
0x33: {  	[sflag:s11] =	ssyncadd.s32 $0xFFFFFE00  }
0x34: {  	[tilespmem:s14], [sflag:$0x1] =	stream.indirect.gather [hbm4b:s3+s13], $0x80, s2, s13, $0xb8;
	[tilespmem:$0x1BB00] =	vst v63  }
0x35: {  	_ =	swait.ge [sflag:s15], $0x4000  }
0x36: {  	[sflag:s15] =	ssyncset.done $0x0  }
0x37: {  	[sflag:s15] =	ssyncadd.s32 $0xFFFFC000  }
0x38: {  	[spmem:s1] =	stream.indirect.scatter.add.f32 [tilespmem:s14], [sflag:$0x3], $0x80, s13, s13, $0xb8;
	[tilespmem:$0x1BB00] =	vst v63  }
0x39: {  	_ =	swait.ge [sflag:s11], $0x4000  }
0x3a: {  	[sflag:s11] =	ssyncset.done $0x0  }
0x3b: {  	[sflag:s11] =	ssyncadd.s32 $0xFFFFC000  }
0x3c: {  	[tilespmem:s17], [sflag:$0x2] =	stream.indirect.gather [hbm4b:s3+s13], $0x80, s16, s13, $0xb8;
	[tilespmem:$0x1BB00] =	vst v63  }
0x3d: {  	_ =	swait.ge [sflag:s18], $0x4000  }
.Ltmp0:
0x3e: {  	[sflag:s18] =	ssyncset.done $0x0;
	(pc) =	sbr.rel @p1 .LBB2_2-.Ltmp0, $4  }
0x3f: {  	[sflag:s18] =	ssyncadd.s32 $0xFFFFC000  }
0x40: {  	[spmem:s1] =	stream.indirect.scatter.add.f32 [tilespmem:s17], [sflag:$0x3], $0x80, s19, s13, $0xb8;
	[tilespmem:$0x1BB00] =	vst v63  }
0x41: {  	_ =	swait.ge [sflag:s11], $0x4000  }
0x42: {  	s22 =	smov.u32 s24;
	[sflag:s11] =	ssyncset.done $0x0  }
0x43: {  	s21 =	sadd.s32 s21, s9;
	[sflag:s11] =	ssyncadd.s32 $0xFFFFC000  }
0x44: {  	[tilespmem:s2], [sflag:$0x3] =	stream.linear.gather [hbm4b:s21+s2], $0x200, $0x38;
	[tilespmem:$0x1BB00] =	vst v63  }
0x45: {  	_ =	swait.ge [sflag:s11], $0x200  }
0x46: {  	[sflag:s11] =	ssyncset.done $0x0  }
0x47: {  	[sflag:s11] =	ssyncadd.s32 $0xFFFFFE00  }
0x48: {  	[tilespmem:s14], [sflag:$0x1] =	stream.indirect.gather [hbm4b:s3+s13], $0x80, s2, s13, $0xb8;
	[tilespmem:$0x1BB00] =	vst v63  }
0x49: {  	_ =	swait.ge [sflag:s15], $0x4000  }
0x4a: {  	[sflag:s15] =	ssyncset.done $0x0  }
0x4b: {  	[sflag:s15] =	ssyncadd.s32 $0xFFFFC000  }
0x4c: {  	[spmem:s1] =	stream.indirect.scatter.add.f32 [tilespmem:s14], [sflag:$0x3], $0x80, s13, s13, $0xb8;
	[tilespmem:$0x1BB00] =	vst v63  }
0x4d: {  	_ =	swait.ge [sflag:s11], $0x4000  }
0x4e: {  	[sflag:s11] =	ssyncset.done $0x0  }
0x4f: {  	[sflag:s11] =	ssyncadd.s32 $0xFFFFC000  }
0x50: {  	[tilespmem:s17], [sflag:$0x2] =	stream.indirect.gather [hbm4b:s3+s13], $0x80, s16, s13, $0xb8;
	[tilespmem:$0x1BB00] =	vst v63  }
0x51: {  	_ =	swait.ge [sflag:s18], $0x4000  }
0x52: {  	[sflag:s18] =	ssyncset.done $0x0  }
0x53: {  	[sflag:s18] =	ssyncadd.s32 $0xFFFFC000  }
0x54: {  	[spmem:s1] =	stream.indirect.scatter.add.f32 [tilespmem:s17], [sflag:$0x3], $0x80, s19, s13, $0xb8;
	[tilespmem:$0x1BB00] =	vst v63  }
0x55: {  	_ =	swait.ge [sflag:s11], $0x4000  }
0x56: {  	[sflag:s11] =	ssyncset.done $0x0  }
0x57: {  	[sflag:s11] =	ssyncadd.s32 $0xFFFFC000  }
0x58: {  	[bflag:$0x0] =	sbarrier.arrive $0xFFFF  }
0x59: {  	[hbm:s6], [sflag:s5] =	dma.local [spmem:s10], $0x2700  }
0x5a: {  	s20 =	sadd.s32 $0x1, s20;
	_ =	swait.ge [sflag:s11], $0x2700  }
0x5b: {  	p1 =	sne.s32 s20, s8;
	[sflag:s11] =	ssyncset.done $0x0  }
.Ltmp1:
0x5c: {  	s21 =	simm.s32 @!p0 $0x3;
	[sflag:s11] =	ssyncadd.s32 $0xFFFFD900;
	(pc) =	sbr.rel @p1 .LBB2_1-.Ltmp1, $4  }
0x5d: {  	[hbm:s7], [sflag:s5] =	dma.local @!p0 [spmem:s12], $0x100  }
0x5e: {  	_ =	swait.ge @!p0 [sflag:s21], $0x100  }
0x5f: {  	[sflag:s21] =	ssyncset.done @!p0 $0x0  }
0x60: {  	[sflag:s21] =	ssyncadd.s32 @!p0 $0xFFFFFF00  }
0x61: {  	_ =	sfence.sel $0x180000  }
0x62: {  	[bflag:$0x0] =	sbarrier.arrive $0xFFFF  }
0x63: {  	_ =	strace $0x90000050  }
0x64: {  	s0 =	sadd.s32 @!p0 $0x100000, s0;
	[bflag:$0x2] =	sbarrier.arrive $0xFFFF  }
0x65: {  	[sflag:s0] =	ssyncadd.tile.s32 @!p0 $0x1;
	_ =	shalt  }
.Lfunc_end2:
_tile_overlayer_lowered:
.L_overlay_start_2:
0x66: {  	(tag) =	ssettag $0x2  }
0x67: {  	s0 =	rddreg [dreg:$0x0];
	s2 =	stileid.u32  }
0x68: {  	s1 =	rddreg [dreg:$0x1];
	p0 =	sne.s32 s2, $0x0  }
0x69: {  	s3 =	rddreg [dreg:$0x2];
	[bflag:$0x3] =	sbarrier.arrive $0xFFFF;
	s2 =	simm.s32 @!p0 $0x1C03  }
0x6a: {  	[timem:s3], [sflag:s2] =	dma.local @!p0 [hbm:s0], s1  }
0x6b: {  	s0 =	simm.s32 @!p0 $0x3  }
0x6c: {  	_ =	swait.ge @!p0 [sflag:s0], s1  }
0x6d: {  	s1 =	ssub.s32 @!p0 $0x0, s1;
	[sflag:s0] =	ssyncset.done @!p0 $0x0  }
0x6e: {  	[sflag:s0] =	ssyncadd.s32 @!p0 s1  }
0x6f: {  	[bflag:$0x3] =	sbarrier.arrive $0xFFFF  }
0x70: {  	_ =	shalt  }

</sc_bundles>
